<compile_context>
chip_gen: v7x
topology: tpu7x:2x2x1
jax: 0.10.2.dev20260603
libtpu: 0.0.44.dev20260713+nightly
codegen_flags: <defaults>
</compile_context>

<pallas_src>
import functools

import jax
import jax.numpy as jnp
from jax import lax
from jax.experimental import pallas as pl
from jax.experimental.pallas import tpu as pltpu
from jax.experimental.pallas import tpu_sc as plsc

B, F, V, D, H = 16384, 26, 1000000, 16, 100
BF = B * F
NW = 32
CHUNK = BF // NW
NSUB = 8
SUB = CHUNK // NSUB


ROWS_SUB = SUB // F
ROWS_CHUNK = CHUNK // F


def _sc_gather(idx_flat, idx_rows, w_dense, w_sparse16):
    mesh = plsc.VectorSubcoreMesh(core_axis_name="c", subcore_axis_name="s")

    @functools.partial(
        pl.kernel,
        out_type=(
            jax.ShapeDtypeStruct((BF, D), jnp.float32),
            jax.ShapeDtypeStruct((BF,), jnp.float32),
        ),
        mesh=mesh,
        compiler_params=pltpu.CompilerParams(use_tc_tiling_on_sc=False,
                                             needs_layout_passes=False),
        scratch_types=[
            pltpu.VMEM((SUB,), jnp.int32),
            pltpu.VMEM((SUB,), jnp.int32),
            pltpu.VMEM((SUB,), jnp.int32),
            pltpu.VMEM((SUB,), jnp.int32),
            pltpu.VMEM((SUB, D), jnp.float32),
            pltpu.VMEM((SUB, D), jnp.float32),
            pltpu.VMEM((SUB, 16), jnp.float32),
            pltpu.VMEM((SUB, 16), jnp.float32),
            pltpu.VMEM((SUB,), jnp.float32),
            pltpu.SemaphoreType.DMA,
            pltpu.SemaphoreType.DMA,
            pltpu.SemaphoreType.DMA,
            pltpu.SemaphoreType.DMA,
        ],
    )
    def k(idx_hbm, idxr_hbm, wd_hbm, ws_hbm, dense_out, wide_out,
          idx0, idx1, idxr0, idxr1, rows0, rows1, srows0, srows1, sv_v,
          semd0, semd1, semw0, semw1):
        wid = lax.axis_index("s") * 2 + lax.axis_index("c")
        lane = lax.iota(jnp.int32, 16)
        idx_b, idxr_b = [idx0, idx1], [idxr0, idxr1]
        rows_b, srows_b = [rows0, rows1], [srows0, srows1]
        semd, semw = [semd0, semd1], [semw0, semw1]
        pending = {}

        def fire(j):
            p = j % 2
            base = wid * CHUNK + j * SUB
            pltpu.sync_copy(idx_hbm.at[pl.ds(base, SUB)], idx_b[p])
            pltpu.sync_copy(idxr_hbm.at[pl.ds(base, SUB)], idxr_b[p])
            cpd = pltpu.async_copy(wd_hbm.at[idx_b[p]], rows_b[p], semd[p])
            cpw = pltpu.async_copy(ws_hbm.at[idxr_b[p]], srows_b[p], semw[p])
            pending[j] = (cpd, cpw)

        fire(0)
        for j in range(NSUB):
            p = j % 2
            if j + 1 < NSUB:
                fire(j + 1)
            base = wid * CHUNK + j * SUB
            cpd, cpw = pending.pop(j)
            cpd.wait()
            cpw.wait()

            def extract(kk, carry):
                off = kk * 16
                col = idx_b[p][pl.ds(off, 16)] & 15
                rr = lane + off
                sv_v[pl.ds(off, 16)] = plsc.load_gather(srows_b[p], [rr, col])
                return carry

            lax.fori_loop(0, SUB // 16, extract, 0)

            pltpu.sync_copy(rows_b[p], dense_out.at[pl.ds(base, SUB)])
            pltpu.sync_copy(sv_v, wide_out.at[pl.ds(base, SUB)])

    return k(idx_flat, idx_rows, w_dense, w_sparse16)


def _mlp_body(x_ref, sv_ref, w1_ref, b1_ref, w2_ref, b2_ref, w3_ref, b3_ref,
              wp_ref, bp_ref, out_ref):
    x = x_ref[...]
    h = jnp.dot(x, w1_ref[...], preferred_element_type=jnp.float32) + b1_ref[...]
    h = h * jax.nn.sigmoid(h)
    h = jnp.dot(h, w2_ref[...], preferred_element_type=jnp.float32) + b2_ref[...]
    h = h * jax.nn.sigmoid(h)
    h = jnp.dot(h, w3_ref[...], preferred_element_type=jnp.float32) + b3_ref[...]
    h = h * jax.nn.sigmoid(h)
    logits = jnp.sum(h * wp_ref[...], axis=1, keepdims=True) + bp_ref[0, 0]
    logits = logits + jnp.sum(sv_ref[...], axis=1, keepdims=True)
    out_ref[...] = jax.nn.sigmoid(logits)


def _tc_mlp(x, sv, W1p, b1p, W2p, b2p, W3p, b3p, wp_row, bp):
    BM = 256
    grid = (B // BM,)
    full = lambda shape: pl.BlockSpec(shape, lambda i: (0, 0))
    return pl.pallas_call(
        _mlp_body,
        grid=grid,
        in_specs=[
            pl.BlockSpec((BM, F * D), lambda i: (i, 0)),
            pl.BlockSpec((BM, F), lambda i: (i, 0)),
            full((F * D, 128)),
            full((1, 128)),
            full((128, 128)),
            full((1, 128)),
            full((128, 128)),
            full((1, 128)),
            full((1, 128)),
            full((1, 1)),
        ],
        out_specs=pl.BlockSpec((BM, 1), lambda i: (i, 0)),
        out_shape=jax.ShapeDtypeStruct((B, 1), jnp.float32),
    )(x, sv, W1p, b1p, W2p, b2p, W3p, b3p, wp_row, bp)


def kernel(inputs, w_sparse, w_dense, W1, b1, W2, b2, W3, b3, Wp, bp):
    idx_flat = inputs.reshape(-1)
    idx_rows = idx_flat >> 4
    w_sparse16 = w_sparse.reshape(V // 16, 16)
    xflat, wide_vals = _sc_gather(idx_flat, idx_rows, w_dense, w_sparse16)
    x2 = xflat.reshape(B, F * D)
    sv = wide_vals.reshape(B, F)

    pad = 128 - H
    W1p = jnp.pad(W1, ((0, 0), (0, pad)))
    b1p = jnp.pad(b1, (0, pad)).reshape(1, 128)
    W2p = jnp.pad(W2, ((0, pad), (0, pad)))
    b2p = jnp.pad(b2, (0, pad)).reshape(1, 128)
    W3p = jnp.pad(W3, ((0, pad), (0, pad)))
    b3p = jnp.pad(b3, (0, pad)).reshape(1, 128)
    wp_row = jnp.pad(Wp[:, 0], (0, pad)).reshape(1, 128)
    bp2 = bp.reshape(1, 1)

    return _tc_mlp(x2, sv, W1p, b1p, W2p, b2p, W3p, b3p, wp_row, bp2)

# --- scband reference (transcript-rebuilt; emitter-appended) ---
"""Pipeline reference for scband-deep-wide-22479858827613 (READ-ONLY COPY).

The authoritative reference and input builder live on the scoring server;
editing this copy changes nothing except your own understanding.
"""

import jax, jax.numpy as jnp
import numpy as np

B, F, V, D, H = 16384, 26, 1000000, 16, 100


def setup_inputs(seed: int = 0) -> dict:
    key = jax.random.key(seed)
    ks = jax.random.split(key, 11)
    inputs = jax.random.randint(ks[0], (B, F), 0, V, dtype=jnp.int32)
    w_sparse = jax.random.normal(ks[1], (V, 1), dtype=jnp.float32) * 0.01
    w_dense = jax.random.normal(ks[2], (V, D), dtype=jnp.float32) * 0.01
    d_in = F * D
    W1 = jax.random.normal(ks[3], (d_in, H), dtype=jnp.float32) * (1.0 / np.sqrt(d_in))
    b1 = jnp.zeros((H,), dtype=jnp.float32)
    W2 = jax.random.normal(ks[4], (H, H), dtype=jnp.float32) * (1.0 / np.sqrt(H))
    b2 = jnp.zeros((H,), dtype=jnp.float32)
    W3 = jax.random.normal(ks[5], (H, H), dtype=jnp.float32) * (1.0 / np.sqrt(H))
    b3 = jnp.zeros((H,), dtype=jnp.float32)
    Wp = jax.random.normal(ks[6], (H, 1), dtype=jnp.float32) * (1.0 / np.sqrt(H))
    bp = jnp.zeros((1,), dtype=jnp.float32)
    return {"inputs": inputs, "w_sparse": w_sparse, "w_dense": w_dense,
            "W1": W1, "b1": b1, "W2": W2, "b2": b2, "W3": W3, "b3": b3,
            "Wp": Wp, "bp": bp}


def reference(inputs, w_sparse, w_dense, W1, b1, W2, b2, W3, b3, Wp, bp):
    # wide part: 1-dim embedding gathered per field, summed over fields
    emb_sparse = jnp.take(w_sparse, inputs, axis=0)          # [B, F, 1]
    emb_sparse = jnp.sum(emb_sparse, axis=1)                  # [B, 1]
    # deep part: D-dim embedding gathered per field, flattened
    emb_dense = jnp.take(w_dense, inputs, axis=0)             # [B, F, D]
    emb_dense = emb_dense.reshape((-1, F * D))                # [B, F*D]
    h = jax.nn.swish(emb_dense @ W1 + b1)
    h = jax.nn.swish(h @ W2 + b2)
    h = jax.nn.swish(h @ W3 + b3)
    logits = h @ Wp + bp                                      # [B, 1]
    logits = logits + emb_sparse
    return jax.nn.sigmoid(logits)

if __name__ == "__main__":
    import jax
    _d = setup_inputs()
    print(jax.jit(kernel)(*tuple(_d.values())))

</pallas_src>

<mosaic_0001>
#map = affine_map<(d0, d1) -> (0)>
#map1 = affine_map<(d0, d1) -> (0, 0)>
module attributes {stable_mosaic.version = 14 : i64} {
  func.func @k(%arg0: i32, %arg1: i32, %arg2: memref<425984xi32, #tpu.memory_space<hbm>>, %arg3: memref<425984xi32, #tpu.memory_space<hbm>>, %arg4: memref<1000000x16xf32, #tpu.memory_space<hbm>>, %arg5: memref<62500x16xf32, #tpu.memory_space<hbm>>, %arg6: memref<425984x16xf32, #tpu.memory_space<hbm>>, %arg7: memref<425984xf32, #tpu.memory_space<hbm>>, %arg8: memref<1664xi32, #tpu.memory_space<vmem>>, %arg9: memref<1664xi32, #tpu.memory_space<vmem>>, %arg10: memref<1664xi32, #tpu.memory_space<vmem>>, %arg11: memref<1664xi32, #tpu.memory_space<vmem>>, %arg12: memref<1664x16xf32, #tpu.memory_space<vmem>>, %arg13: memref<1664x16xf32, #tpu.memory_space<vmem>>, %arg14: memref<1664x16xf32, #tpu.memory_space<vmem>>, %arg15: memref<1664x16xf32, #tpu.memory_space<vmem>>, %arg16: memref<1664xf32, #tpu.memory_space<vmem>>, %arg17: memref<!tpu.dma_semaphore, #tpu.memory_space<semaphore_mem>>, %arg18: memref<!tpu.dma_semaphore, #tpu.memory_space<semaphore_mem>>, %arg19: memref<!tpu.dma_semaphore, #tpu.memory_space<semaphore_mem>>, %arg20: memref<!tpu.dma_semaphore, #tpu.memory_space<semaphore_mem>>) attributes {dimension_semantics = [#tpu.dimension_semantics<core_parallel>, #tpu.dimension_semantics<subcore_parallel>], iteration_bounds = array<i64: 2, 16>, scalar_prefetch = 0 : i64, scratch_operands = 13 : i64, tpu.core_type = #tpu.core_type<sc_vector_subcore>, window_params = [{transform_indices = #map}, {transform_indices = #map}, {transform_indices = #map1}, {transform_indices = #map1}, {transform_indices = #map1}, {transform_indices = #map}]} {
    %mul3A = arith.constant 2 : i32
    %mul3A_0 = arith.muli %arg1, %mul3A : i32
    %add3A = arith.addi %mul3A_0, %arg0 : i32
    %iota3A = tpu.iota {dimensions = array<i32: 0>} : vector<16xi32>
    %mul3A_1 = arith.constant 13312 : i32
    %mul3A_2 = arith.muli %add3A, %mul3A_1 : i32
    %add3A_3 = arith.constant 0 : i32
    %add3A_4 = arith.addi %mul3A_2, %add3A_3 : i32
    "tpu.region"() ({
      %run_scoped3A = tpu.sem_alloc : memref<!tpu.dma_semaphore, #tpu.memory_space<semaphore_mem>>
      %dma_start3A_206 = tpu.memref_slice %arg2[%add3A_4] : memref<425984xi32, #tpu.memory_space<hbm>> -> memref<1664xi32, #tpu.memory_space<hbm>>
      %dma_start3A_207 = tpu.memref_slice %arg2[%add3A_4] : memref<425984xi32, #tpu.memory_space<hbm>> -> memref<1664xi32, #tpu.memory_space<hbm>>
      tpu.enqueue_dma source(%dma_start3A_207 : memref<1664xi32, #tpu.memory_space<hbm>>) target(%arg8 : memref<1664xi32, #tpu.memory_space<vmem>>) target_semaphore(%run_scoped3A : memref<!tpu.dma_semaphore, #tpu.memory_space<semaphore_mem>>)
      %dma_wait3A_208 = tpu.memref_slice %arg2[%add3A_4] : memref<425984xi32, #tpu.memory_space<hbm>> -> memref<1664xi32, #tpu.memory_space<hbm>>
      %dma_wait3A_209 = tpu.memref_slice %arg2[%add3A_4] : memref<425984xi32, #tpu.memory_space<hbm>> -> memref<1664xi32, #tpu.memory_space<hbm>>
      tpu.wait_dma2 semaphore(%run_scoped3A : memref<!tpu.dma_semaphore, #tpu.memory_space<semaphore_mem>>) src(%dma_wait3A_209 : memref<1664xi32, #tpu.memory_space<hbm>>) dst(%arg8 : memref<1664xi32, #tpu.memory_space<vmem>>)
      tpu.yield
    }) : () -> ()
    "tpu.region"() ({
      %run_scoped3A = tpu.sem_alloc : memref<!tpu.dma_semaphore, #tpu.memory_space<semaphore_mem>>
      %dma_start3A_206 = tpu.memref_slice %arg3[%add3A_4] : memref<425984xi32, #tpu.memory_space<hbm>> -> memref<1664xi32, #tpu.memory_space<hbm>>
      %dma_start3A_207 = tpu.memref_slice %arg3[%add3A_4] : memref<425984xi32, #tpu.memory_space<hbm>> -> memref<1664xi32, #tpu.memory_space<hbm>>
      tpu.enqueue_dma source(%dma_start3A_207 : memref<1664xi32, #tpu.memory_space<hbm>>) target(%arg10 : memref<1664xi32, #tpu.memory_space<vmem>>) target_semaphore(%run_scoped3A : memref<!tpu.dma_semaphore, #tpu.memory_space<semaphore_mem>>)
      %dma_wait3A_208 = tpu.memref_slice %arg3[%add3A_4] : memref<425984xi32, #tpu.memory_space<hbm>> -> memref<1664xi32, #tpu.memory_space<hbm>>
      %dma_wait3A_209 = tpu.memref_slice %arg3[%add3A_4] : memref<425984xi32, #tpu.memory_space<hbm>> -> memref<1664xi32, #tpu.memory_space<hbm>>
      tpu.wait_dma2 semaphore(%run_scoped3A : memref<!tpu.dma_semaphore, #tpu.memory_space<semaphore_mem>>) src(%dma_wait3A_209 : memref<1664xi32, #tpu.memory_space<hbm>>) dst(%arg10 : memref<1664xi32, #tpu.memory_space<vmem>>)
      tpu.yield
    }) : () -> ()
    %dma_start3A = arith.constant 0 : i32
    %dma_start3A_5 = arith.constant 0 : i32
    %dma_start3A_6 = tpu.memref_slice %arg4[%dma_start3A, %dma_start3A_5] : memref<1000000x16xf32, #tpu.memory_space<hbm>> -> memref<1000000x16xf32, #tpu.memory_space<hbm>>
    tpu.enqueue_indirect_dma source(%dma_start3A_6 : memref<1000000x16xf32, #tpu.memory_space<hbm>>) target(%arg12 : memref<1664x16xf32, #tpu.memory_space<vmem>>) offsets(%arg8 : memref<1664xi32, #tpu.memory_space<vmem>>) semaphore(%arg17 : memref<!tpu.dma_semaphore, #tpu.memory_space<semaphore_mem>>)
    %dma_start3A_7 = arith.constant 0 : i32
    %dma_start3A_8 = arith.constant 0 : i32
    %dma_start3A_9 = tpu.memref_slice %arg5[%dma_start3A_7, %dma_start3A_8] : memref<62500x16xf32, #tpu.memory_space<hbm>> -> memref<62500x16xf32, #tpu.memory_space<hbm>>
    tpu.enqueue_indirect_dma source(%dma_start3A_9 : memref<62500x16xf32, #tpu.memory_space<hbm>>) target(%arg14 : memref<1664x16xf32, #tpu.memory_space<vmem>>) offsets(%arg10 : memref<1664xi32, #tpu.memory_space<vmem>>) semaphore(%arg19 : memref<!tpu.dma_semaphore, #tpu.memory_space<semaphore_mem>>)
    %mul3A_10 = arith.constant 13312 : i32
    %mul3A_11 = arith.muli %add3A, %mul3A_10 : i32
    %add3A_12 = arith.constant 1664 : i32
    %add3A_13 = arith.addi %mul3A_11, %add3A_12 : i32
    "tpu.region"() ({
      %run_scoped3A = tpu.sem_alloc : memref<!tpu.dma_semaphore, #tpu.memory_space<semaphore_mem>>
      %dma_start3A_206 = tpu.memref_slice %arg2[%add3A_13] : memref<425984xi32, #tpu.memory_space<hbm>> -> memref<1664xi32, #tpu.memory_space<hbm>>
      %dma_start3A_207 = tpu.memref_slice %arg2[%add3A_13] : memref<425984xi32, #tpu.memory_space<hbm>> -> memref<1664xi32, #tpu.memory_space<hbm>>
      tpu.enqueue_dma source(%dma_start3A_207 : memref<1664xi32, #tpu.memory_space<hbm>>) target(%arg9 : memref<1664xi32, #tpu.memory_space<vmem>>) target_semaphore(%run_scoped3A : memref<!tpu.dma_semaphore, #tpu.memory_space<semaphore_mem>>)
      %dma_wait3A_208 = tpu.memref_slice %arg2[%add3A_13] : memref<425984xi32, #tpu.memory_space<hbm>> -> memref<1664xi32, #tpu.memory_space<hbm>>
      %dma_wait3A_209 = tpu.memref_slice %arg2[%add3A_13] : memref<425984xi32, #tpu.memory_space<hbm>> -> memref<1664xi32, #tpu.memory_space<hbm>>
      tpu.wait_dma2 semaphore(%run_scoped3A : memref<!tpu.dma_semaphore, #tpu.memory_space<semaphore_mem>>) src(%dma_wait3A_209 : memref<1664xi32, #tpu.memory_space<hbm>>) dst(%arg9 : memref<1664xi32, #tpu.memory_space<vmem>>)
      tpu.yield
    }) : () -> ()
    "tpu.region"() ({
      %run_scoped3A = tpu.sem_alloc : memref<!tpu.dma_semaphore, #tpu.memory_space<semaphore_mem>>
      %dma_start3A_206 = tpu.memref_slice %arg3[%add3A_13] : memref<425984xi32, #tpu.memory_space<hbm>> -> memref<1664xi32, #tpu.memory_space<hbm>>
      %dma_start3A_207 = tpu.memref_slice %arg3[%add3A_13] : memref<425984xi32, #tpu.memory_space<hbm>> -> memref<1664xi32, #tpu.memory_space<hbm>>
      tpu.enqueue_dma source(%dma_start3A_207 : memref<1664xi32, #tpu.memory_space<hbm>>) target(%arg11 : memref<1664xi32, #tpu.memory_space<vmem>>) target_semaphore(%run_scoped3A : memref<!tpu.dma_semaphore, #tpu.memory_space<semaphore_mem>>)
      %dma_wait3A_208 = tpu.memref_slice %arg3[%add3A_13] : memref<425984xi32, #tpu.memory_space<hbm>> -> memref<1664xi32, #tpu.memory_space<hbm>>
      %dma_wait3A_209 = tpu.memref_slice %arg3[%add3A_13] : memref<425984xi32, #tpu.memory_space<hbm>> -> memref<1664xi32, #tpu.memory_space<hbm>>
      tpu.wait_dma2 semaphore(%run_scoped3A : memref<!tpu.dma_semaphore, #tpu.memory_space<semaphore_mem>>) src(%dma_wait3A_209 : memref<1664xi32, #tpu.memory_space<hbm>>) dst(%arg11 : memref<1664xi32, #tpu.memory_space<vmem>>)
      tpu.yield
    }) : () -> ()
    %dma_start3A_14 = arith.constant 0 : i32
    %dma_start3A_15 = arith.constant 0 : i32
    %dma_start3A_16 = tpu.memref_slice %arg4[%dma_start3A_14, %dma_start3A_15] : memref<1000000x16xf32, #tpu.memory_space<hbm>> -> memref<1000000x16xf32, #tpu.memory_space<hbm>>
    tpu.enqueue_indirect_dma source(%dma_start3A_16 : memref<1000000x16xf32, #tpu.memory_space<hbm>>) target(%arg13 : memref<1664x16xf32, #tpu.memory_space<vmem>>) offsets(%arg9 : memref<1664xi32, #tpu.memory_space<vmem>>) semaphore(%arg18 : memref<!tpu.dma_semaphore, #tpu.memory_space<semaphore_mem>>)
    %dma_start3A_17 = arith.constant 0 : i32
    %dma_start3A_18 = arith.constant 0 : i32
    %dma_start3A_19 = tpu.memref_slice %arg5[%dma_start3A_17, %dma_start3A_18] : memref<62500x16xf32, #tpu.memory_space<hbm>> -> memref<62500x16xf32, #tpu.memory_space<hbm>>
    tpu.enqueue_indirect_dma source(%dma_start3A_19 : memref<62500x16xf32, #tpu.memory_space<hbm>>) target(%arg15 : memref<1664x16xf32, #tpu.memory_space<vmem>>) offsets(%arg11 : memref<1664xi32, #tpu.memory_space<vmem>>) semaphore(%arg20 : memref<!tpu.dma_semaphore, #tpu.memory_space<semaphore_mem>>)
    %mul3A_20 = arith.constant 13312 : i32
    %mul3A_21 = arith.muli %add3A, %mul3A_20 : i32
    %add3A_22 = arith.constant 0 : i32
    %add3A_23 = arith.addi %mul3A_21, %add3A_22 : i32
    %dma_wait3A = arith.constant 0 : i32
    %dma_wait3A_24 = arith.constant 0 : i32
    %dma_wait3A_25 = tpu.memref_slice %arg4[%dma_wait3A, %dma_wait3A_24] : memref<1000000x16xf32, #tpu.memory_space<hbm>> -> memref<1000000x16xf32, #tpu.memory_space<hbm>>
    tpu.wait_indirect_dma semaphore(%arg17 : memref<!tpu.dma_semaphore, #tpu.memory_space<semaphore_mem>>) src(%dma_wait3A_25 : memref<1000000x16xf32, #tpu.memory_space<hbm>>) dst(%arg12 : memref<1664x16xf32, #tpu.memory_space<vmem>>)
    %dma_wait3A_26 = arith.constant 0 : i32
    %dma_wait3A_27 = arith.constant 0 : i32
    %dma_wait3A_28 = tpu.memref_slice %arg5[%dma_wait3A_26, %dma_wait3A_27] : memref<62500x16xf32, #tpu.memory_space<hbm>> -> memref<62500x16xf32, #tpu.memory_space<hbm>>
    tpu.wait_indirect_dma semaphore(%arg19 : memref<!tpu.dma_semaphore, #tpu.memory_space<semaphore_mem>>) src(%dma_wait3A_28 : memref<62500x16xf32, #tpu.memory_space<hbm>>) dst(%arg14 : memref<1664x16xf32, #tpu.memory_space<vmem>>)
    %scan3A = arith.constant 0 : i32
    %scan3A_29 = arith.constant 0 : i32
    %scan3A_30 = arith.constant 104 : i32
    %scan3A_31 = arith.addi %scan3A_29, %scan3A_30 : i32
    %scan3A_32 = arith.constant 1 : i32
    scf.for %scan3A_206 = %scan3A_29 to %scan3A_31 step %scan3A_32  : i32 {
      %mul3A_207 = arith.constant 16 : i32
      %mul3A_208 = arith.muli %scan3A_206, %mul3A_207 : i32
      %get3A = arith.index_cast %mul3A_208 : i32 to index
      %get3A_209 = tpu.vector_load %arg8[%get3A] {strides = array<i32>} : memref<1664xi32, #tpu.memory_space<vmem>>, vector<16xi32>,
      %and3A = arith.constant 15 : i32
      %and3A_210 = vector.broadcast %and3A : i32 to vector<16xi32>
      %and3A_211 = arith.andi %get3A_209, %and3A_210 : vector<16xi32>
      %add3A_212 = vector.broadcast %mul3A_208 : i32 to vector<16xi32>
      %add3A_213 = arith.addi %iota3A, %add3A_212 : vector<16xi32>
      %gather3A = tpu.vector_load_idx %arg14[%add3A_213, %and3A_211] : memref<1664x16xf32, #tpu.memory_space<vmem>>[vector<16xi32>, vector<16xi32>], vector<16xf32>,
      %swap3A = arith.index_cast %mul3A_208 : i32 to index
      %swap3A_214 = tpu.vector_load %arg16[%swap3A] {strides = array<i32>} : memref<1664xf32, #tpu.memory_space<vmem>>, vector<16xf32>,
      tpu.vector_store %arg16[%swap3A], %gather3A {strides = array<i32>} : memref<1664xf32, #tpu.memory_space<vmem>>, vector<16xf32>,
    }
    %scan3A_33 = arith.constant 104 : i32
    "tpu.region"() ({
      %run_scoped3A = tpu.sem_alloc : memref<!tpu.dma_semaphore, #tpu.memory_space<semaphore_mem>>
      %dma_start3A_206 = arith.constant 0 : i32
      %dma_start3A_207 = tpu.memref_slice %arg6[%add3A_23, %dma_start3A_206] : memref<425984x16xf32, #tpu.memory_space<hbm>> -> memref<1664x16xf32, #tpu.memory_space<hbm>>
      %dma_start3A_208 = arith.constant 0 : i32
      %dma_start3A_209 = tpu.memref_slice %arg6[%add3A_23, %dma_start3A_208] : memref<425984x16xf32, #tpu.memory_space<hbm>> -> memref<1664x16xf32, #tpu.memory_space<hbm>>
      tpu.enqueue_dma source(%arg12 : memref<1664x16xf32, #tpu.memory_space<vmem>>) target(%dma_start3A_209 : memref<1664x16xf32, #tpu.memory_space<hbm>>) target_semaphore(%run_scoped3A : memref<!tpu.dma_semaphore, #tpu.memory_space<semaphore_mem>>)
      %dma_wait3A_210 = arith.constant 0 : i32
      %dma_wait3A_211 = tpu.memref_slice %arg6[%add3A_23, %dma_wait3A_210] : memref<425984x16xf32, #tpu.memory_space<hbm>> -> memref<1664x16xf32, #tpu.memory_space<hbm>>
      %dma_wait3A_212 = arith.constant 0 : i32
      %dma_wait3A_213 = tpu.memref_slice %arg6[%add3A_23, %dma_wait3A_212] : memref<425984x16xf32, #tpu.memory_space<hbm>> -> memref<1664x16xf32, #tpu.memory_space<hbm>>
      tpu.wait_dma2 semaphore(%run_scoped3A : memref<!tpu.dma_semaphore, #tpu.memory_space<semaphore_mem>>) src(%arg12 : memref<1664x16xf32, #tpu.memory_space<vmem>>) dst(%dma_wait3A_213 : memref<1664x16xf32, #tpu.memory_space<hbm>>)
      tpu.yield
    }) : () -> ()
    "tpu.region"() ({
      %run_scoped3A = tpu.sem_alloc : memref<!tpu.dma_semaphore, #tpu.memory_space<semaphore_mem>>
      %dma_start3A_206 = tpu.memref_slice %arg7[%add3A_23] : memref<425984xf32, #tpu.memory_space<hbm>> -> memref<1664xf32, #tpu.memory_space<hbm>>
      %dma_start3A_207 = tpu.memref_slice %arg7[%add3A_23] : memref<425984xf32, #tpu.memory_space<hbm>> -> memref<1664xf32, #tpu.memory_space<hbm>>
      tpu.enqueue_dma source(%arg16 : memref<1664xf32, #tpu.memory_space<vmem>>) target(%dma_start3A_207 : memref<1664xf32, #tpu.memory_space<hbm>>) target_semaphore(%run_scoped3A : memref<!tpu.dma_semaphore, #tpu.memory_space<semaphore_mem>>)
      %dma_wait3A_208 = tpu.memref_slice %arg7[%add3A_23] : memref<425984xf32, #tpu.memory_space<hbm>> -> memref<1664xf32, #tpu.memory_space<hbm>>
      %dma_wait3A_209 = tpu.memref_slice %arg7[%add3A_23] : memref<425984xf32, #tpu.memory_space<hbm>> -> memref<1664xf32, #tpu.memory_space<hbm>>
      tpu.wait_dma2 semaphore(%run_scoped3A : memref<!tpu.dma_semaphore, #tpu.memory_space<semaphore_mem>>) src(%arg16 : memref<1664xf32, #tpu.memory_space<vmem>>) dst(%dma_wait3A_209 : memref<1664xf32, #tpu.memory_space<hbm>>)
      tpu.yield
    }) : () -> ()
    %mul3A_34 = arith.constant 13312 : i32
    %mul3A_35 = arith.muli %add3A, %mul3A_34 : i32
    %add3A_36 = arith.constant 3328 : i32
    %add3A_37 = arith.addi %mul3A_35, %add3A_36 : i32
    "tpu.region"() ({
      %run_scoped3A = tpu.sem_alloc : memref<!tpu.dma_semaphore, #tpu.memory_space<semaphore_mem>>
      %dma_start3A_206 = tpu.memref_slice %arg2[%add3A_37] : memref<425984xi32, #tpu.memory_space<hbm>> -> memref<1664xi32, #tpu.memory_space<hbm>>
      %dma_start3A_207 = tpu.memref_slice %arg2[%add3A_37] : memref<425984xi32, #tpu.memory_space<hbm>> -> memref<1664xi32, #tpu.memory_space<hbm>>
      tpu.enqueue_dma source(%dma_start3A_207 : memref<1664xi32, #tpu.memory_space<hbm>>) target(%arg8 : memref<1664xi32, #tpu.memory_space<vmem>>) target_semaphore(%run_scoped3A : memref<!tpu.dma_semaphore, #tpu.memory_space<semaphore_mem>>)
      %dma_wait3A_208 = tpu.memref_slice %arg2[%add3A_37] : memref<425984xi32, #tpu.memory_space<hbm>> -> memref<1664xi32, #tpu.memory_space<hbm>>
      %dma_wait3A_209 = tpu.memref_slice %arg2[%add3A_37] : memref<425984xi32, #tpu.memory_space<hbm>> -> memref<1664xi32, #tpu.memory_space<hbm>>
      tpu.wait_dma2 semaphore(%run_scoped3A : memref<!tpu.dma_semaphore, #tpu.memory_space<semaphore_mem>>) src(%dma_wait3A_209 : memref<1664xi32, #tpu.memory_space<hbm>>) dst(%arg8 : memref<1664xi32, #tpu.memory_space<vmem>>)
      tpu.yield
    }) : () -> ()
    "tpu.region"() ({
      %run_scoped3A = tpu.sem_alloc : memref<!tpu.dma_semaphore, #tpu.memory_space<semaphore_mem>>
      %dma_start3A_206 = tpu.memref_slice %arg3[%add3A_37] : memref<425984xi32, #tpu.memory_space<hbm>> -> memref<1664xi32, #tpu.memory_space<hbm>>
      %dma_start3A_207 = tpu.memref_slice %arg3[%add3A_37] : memref<425984xi32, #tpu.memory_space<hbm>> -> memref<1664xi32, #tpu.memory_space<hbm>>
      tpu.enqueue_dma source(%dma_start3A_207 : memref<1664xi32, #tpu.memory_space<hbm>>) target(%arg10 : memref<1664xi32, #tpu.memory_space<vmem>>) target_semaphore(%run_scoped3A : memref<!tpu.dma_semaphore, #tpu.memory_space<semaphore_mem>>)
      %dma_wait3A_208 = tpu.memref_slice %arg3[%add3A_37] : memref<425984xi32, #tpu.memory_space<hbm>> -> memref<1664xi32, #tpu.memory_space<hbm>>
      %dma_wait3A_209 = tpu.memref_slice %arg3[%add3A_37] : memref<425984xi32, #tpu.memory_space<hbm>> -> memref<1664xi32, #tpu.memory_space<hbm>>
      tpu.wait_dma2 semaphore(%run_scoped3A : memref<!tpu.dma_semaphore, #tpu.memory_space<semaphore_mem>>) src(%dma_wait3A_209 : memref<1664xi32, #tpu.memory_space<hbm>>) dst(%arg10 : memref<1664xi32, #tpu.memory_space<vmem>>)
      tpu.yield
    }) : () -> ()
    %dma_start3A_38 = arith.constant 0 : i32
    %dma_start3A_39 = arith.constant 0 : i32
    %dma_start3A_40 = tpu.memref_slice %arg4[%dma_start3A_38, %dma_start3A_39] : memref<1000000x16xf32, #tpu.memory_space<hbm>> -> memref<1000000x16xf32, #tpu.memory_space<hbm>>
    tpu.enqueue_indirect_dma source(%dma_start3A_40 : memref<1000000x16xf32, #tpu.memory_space<hbm>>) target(%arg12 : memref<1664x16xf32, #tpu.memory_space<vmem>>) offsets(%arg8 : memref<1664xi32, #tpu.memory_space<vmem>>) semaphore(%arg17 : memref<!tpu.dma_semaphore, #tpu.memory_space<semaphore_mem>>)
    %dma_start3A_41 = arith.constant 0 : i32
    %dma_start3A_42 = arith.constant 0 : i32
    %dma_start3A_43 = tpu.memref_slice %arg5[%dma_start3A_41, %dma_start3A_42] : memref<62500x16xf32, #tpu.memory_space<hbm>> -> memref<62500x16xf32, #tpu.memory_space<hbm>>
    tpu.enqueue_indirect_dma source(%dma_start3A_43 : memref<62500x16xf32, #tpu.memory_space<hbm>>) target(%arg14 : memref<1664x16xf32, #tpu.memory_space<vmem>>) offsets(%arg10 : memref<1664xi32, #tpu.memory_space<vmem>>) semaphore(%arg19 : memref<!tpu.dma_semaphore, #tpu.memory_space<semaphore_mem>>)
    %mul3A_44 = arith.constant 13312 : i32
    %mul3A_45 = arith.muli %add3A, %mul3A_44 : i32
    %add3A_46 = arith.constant 1664 : i32
    %add3A_47 = arith.addi %mul3A_45, %add3A_46 : i32
    %dma_wait3A_48 = arith.constant 0 : i32
    %dma_wait3A_49 = arith.constant 0 : i32
    %dma_wait3A_50 = tpu.memref_slice %arg4[%dma_wait3A_48, %dma_wait3A_49] : memref<1000000x16xf32, #tpu.memory_space<hbm>> -> memref<1000000x16xf32, #tpu.memory_space<hbm>>
    tpu.wait_indirect_dma semaphore(%arg18 : memref<!tpu.dma_semaphore, #tpu.memory_space<semaphore_mem>>) src(%dma_wait3A_50 : memref<1000000x16xf32, #tpu.memory_space<hbm>>) dst(%arg13 : memref<1664x16xf32, #tpu.memory_space<vmem>>)
    %dma_wait3A_51 = arith.constant 0 : i32
    %dma_wait3A_52 = arith.constant 0 : i32
    %dma_wait3A_53 = tpu.memref_slice %arg5[%dma_wait3A_51, %dma_wait3A_52] : memref<62500x16xf32, #tpu.memory_space<hbm>> -> memref<62500x16xf32, #tpu.memory_space<hbm>>
    tpu.wait_indirect_dma semaphore(%arg20 : memref<!tpu.dma_semaphore, #tpu.memory_space<semaphore_mem>>) src(%dma_wait3A_53 : memref<62500x16xf32, #tpu.memory_space<hbm>>) dst(%arg15 : memref<1664x16xf32, #tpu.memory_space<vmem>>)
    %scan3A_54 = arith.constant 0 : i32
    %scan3A_55 = arith.constant 0 : i32
    %scan3A_56 = arith.constant 104 : i32
    %scan3A_57 = arith.addi %scan3A_55, %scan3A_56 : i32
    %scan3A_58 = arith.constant 1 : i32
    scf.for %scan3A_206 = %scan3A_55 to %scan3A_57 step %scan3A_58  : i32 {
      %mul3A_207 = arith.constant 16 : i32
      %mul3A_208 = arith.muli %scan3A_206, %mul3A_207 : i32
      %get3A = arith.index_cast %mul3A_208 : i32 to index
      %get3A_209 = tpu.vector_load %arg9[%get3A] {strides = array<i32>} : memref<1664xi32, #tpu.memory_space<vmem>>, vector<16xi32>,
      %and3A = arith.constant 15 : i32
      %and3A_210 = vector.broadcast %and3A : i32 to vector<16xi32>
      %and3A_211 = arith.andi %get3A_209, %and3A_210 : vector<16xi32>
      %add3A_212 = vector.broadcast %mul3A_208 : i32 to vector<16xi32>
      %add3A_213 = arith.addi %iota3A, %add3A_212 : vector<16xi32>
      %gather3A = tpu.vector_load_idx %arg15[%add3A_213, %and3A_211] : memref<1664x16xf32, #tpu.memory_space<vmem>>[vector<16xi32>, vector<16xi32>], vector<16xf32>,
      %swap3A = arith.index_cast %mul3A_208 : i32 to index
      %swap3A_214 = tpu.vector_load %arg16[%swap3A] {strides = array<i32>} : memref<1664xf32, #tpu.memory_space<vmem>>, vector<16xf32>,
      tpu.vector_store %arg16[%swap3A], %gather3A {strides = array<i32>} : memref<1664xf32, #tpu.memory_space<vmem>>, vector<16xf32>,
    }
    %scan3A_59 = arith.constant 104 : i32
    "tpu.region"() ({
      %run_scoped3A = tpu.sem_alloc : memref<!tpu.dma_semaphore, #tpu.memory_space<semaphore_mem>>
      %dma_start3A_206 = arith.constant 0 : i32
      %dma_start3A_207 = tpu.memref_slice %arg6[%add3A_47, %dma_start3A_206] : memref<425984x16xf32, #tpu.memory_space<hbm>> -> memref<1664x16xf32, #tpu.memory_space<hbm>>
      %dma_start3A_208 = arith.constant 0 : i32
      %dma_start3A_209 = tpu.memref_slice %arg6[%add3A_47, %dma_start3A_208] : memref<425984x16xf32, #tpu.memory_space<hbm>> -> memref<1664x16xf32, #tpu.memory_space<hbm>>
      tpu.enqueue_dma source(%arg13 : memref<1664x16xf32, #tpu.memory_space<vmem>>) target(%dma_start3A_209 : memref<1664x16xf32, #tpu.memory_space<hbm>>) target_semaphore(%run_scoped3A : memref<!tpu.dma_semaphore, #tpu.memory_space<semaphore_mem>>)
      %dma_wait3A_210 = arith.constant 0 : i32
      %dma_wait3A_211 = tpu.memref_slice %arg6[%add3A_47, %dma_wait3A_210] : memref<425984x16xf32, #tpu.memory_space<hbm>> -> memref<1664x16xf32, #tpu.memory_space<hbm>>
      %dma_wait3A_212 = arith.constant 0 : i32
      %dma_wait3A_213 = tpu.memref_slice %arg6[%add3A_47, %dma_wait3A_212] : memref<425984x16xf32, #tpu.memory_space<hbm>> -> memref<1664x16xf32, #tpu.memory_space<hbm>>
      tpu.wait_dma2 semaphore(%run_scoped3A : memref<!tpu.dma_semaphore, #tpu.memory_space<semaphore_mem>>) src(%arg13 : memref<1664x16xf32, #tpu.memory_space<vmem>>) dst(%dma_wait3A_213 : memref<1664x16xf32, #tpu.memory_space<hbm>>)
      tpu.yield
    }) : () -> ()
    "tpu.region"() ({
      %run_scoped3A = tpu.sem_alloc : memref<!tpu.dma_semaphore, #tpu.memory_space<semaphore_mem>>
      %dma_start3A_206 = tpu.memref_slice %arg7[%add3A_47] : memref<425984xf32, #tpu.memory_space<hbm>> -> memref<1664xf32, #tpu.memory_space<hbm>>
      %dma_start3A_207 = tpu.memref_slice %arg7[%add3A_47] : memref<425984xf32, #tpu.memory_space<hbm>> -> memref<1664xf32, #tpu.memory_space<hbm>>
      tpu.enqueue_dma source(%arg16 : memref<1664xf32, #tpu.memory_space<vmem>>) target(%dma_start3A_207 : memref<1664xf32, #tpu.memory_space<hbm>>) target_semaphore(%run_scoped3A : memref<!tpu.dma_semaphore, #tpu.memory_space<semaphore_mem>>)
      %dma_wait3A_208 = tpu.memref_slice %arg7[%add3A_47] : memref<425984xf32, #tpu.memory_space<hbm>> -> memref<1664xf32, #tpu.memory_space<hbm>>
      %dma_wait3A_209 = tpu.memref_slice %arg7[%add3A_47] : memref<425984xf32, #tpu.memory_space<hbm>> -> memref<1664xf32, #tpu.memory_space<hbm>>
      tpu.wait_dma2 semaphore(%run_scoped3A : memref<!tpu.dma_semaphore, #tpu.memory_space<semaphore_mem>>) src(%arg16 : memref<1664xf32, #tpu.memory_space<vmem>>) dst(%dma_wait3A_209 : memref<1664xf32, #tpu.memory_space<hbm>>)
      tpu.yield
    }) : () -> ()
    %mul3A_60 = arith.constant 13312 : i32
    %mul3A_61 = arith.muli %add3A, %mul3A_60 : i32
    %add3A_62 = arith.constant 4992 : i32
    %add3A_63 = arith.addi %mul3A_61, %add3A_62 : i32
    "tpu.region"() ({
      %run_scoped3A = tpu.sem_alloc : memref<!tpu.dma_semaphore, #tpu.memory_space<semaphore_mem>>
      %dma_start3A_206 = tpu.memref_slice %arg2[%add3A_63] : memref<425984xi32, #tpu.memory_space<hbm>> -> memref<1664xi32, #tpu.memory_space<hbm>>
      %dma_start3A_207 = tpu.memref_slice %arg2[%add3A_63] : memref<425984xi32, #tpu.memory_space<hbm>> -> memref<1664xi32, #tpu.memory_space<hbm>>
      tpu.enqueue_dma source(%dma_start3A_207 : memref<1664xi32, #tpu.memory_space<hbm>>) target(%arg9 : memref<1664xi32, #tpu.memory_space<vmem>>) target_semaphore(%run_scoped3A : memref<!tpu.dma_semaphore, #tpu.memory_space<semaphore_mem>>)
      %dma_wait3A_208 = tpu.memref_slice %arg2[%add3A_63] : memref<425984xi32, #tpu.memory_space<hbm>> -> memref<1664xi32, #tpu.memory_space<hbm>>
      %dma_wait3A_209 = tpu.memref_slice %arg2[%add3A_63] : memref<425984xi32, #tpu.memory_space<hbm>> -> memref<1664xi32, #tpu.memory_space<hbm>>
      tpu.wait_dma2 semaphore(%run_scoped3A : memref<!tpu.dma_semaphore, #tpu.memory_space<semaphore_mem>>) src(%dma_wait3A_209 : memref<1664xi32, #tpu.memory_space<hbm>>) dst(%arg9 : memref<1664xi32, #tpu.memory_space<vmem>>)
      tpu.yield
    }) : () -> ()
    "tpu.region"() ({
      %run_scoped3A = tpu.sem_alloc : memref<!tpu.dma_semaphore, #tpu.memory_space<semaphore_mem>>
      %dma_start3A_206 = tpu.memref_slice %arg3[%add3A_63] : memref<425984xi32, #tpu.memory_space<hbm>> -> memref<1664xi32, #tpu.memory_space<hbm>>
      %dma_start3A_207 = tpu.memref_slice %arg3[%add3A_63] : memref<425984xi32, #tpu.memory_space<hbm>> -> memref<1664xi32, #tpu.memory_space<hbm>>
      tpu.enqueue_dma source(%dma_start3A_207 : memref<1664xi32, #tpu.memory_space<hbm>>) target(%arg11 : memref<1664xi32, #tpu.memory_space<vmem>>) target_semaphore(%run_scoped3A : memref<!tpu.dma_semaphore, #tpu.memory_space<semaphore_mem>>)
      %dma_wait3A_208 = tpu.memref_slice %arg3[%add3A_63] : memref<425984xi32, #tpu.memory_space<hbm>> -> memref<1664xi32, #tpu.memory_space<hbm>>
      %dma_wait3A_209 = tpu.memref_slice %arg3[%add3A_63] : memref<425984xi32, #tpu.memory_space<hbm>> -> memref<1664xi32, #tpu.memory_space<hbm>>
      tpu.wait_dma2 semaphore(%run_scoped3A : memref<!tpu.dma_semaphore, #tpu.memory_space<semaphore_mem>>) src(%dma_wait3A_209 : memref<1664xi32, #tpu.memory_space<hbm>>) dst(%arg11 : memref<1664xi32, #tpu.memory_space<vmem>>)
      tpu.yield
    }) : () -> ()
    %dma_start3A_64 = arith.constant 0 : i32
    %dma_start3A_65 = arith.constant 0 : i32
    %dma_start3A_66 = tpu.memref_slice %arg4[%dma_start3A_64, %dma_start3A_65] : memref<1000000x16xf32, #tpu.memory_space<hbm>> -> memref<1000000x16xf32, #tpu.memory_space<hbm>>
    tpu.enqueue_indirect_dma source(%dma_start3A_66 : memref<1000000x16xf32, #tpu.memory_space<hbm>>) target(%arg13 : memref<1664x16xf32, #tpu.memory_space<vmem>>) offsets(%arg9 : memref<1664xi32, #tpu.memory_space<vmem>>) semaphore(%arg18 : memref<!tpu.dma_semaphore, #tpu.memory_space<semaphore_mem>>)
    %dma_start3A_67 = arith.constant 0 : i32
    %dma_start3A_68 = arith.constant 0 : i32
    %dma_start3A_69 = tpu.memref_slice %arg5[%dma_start3A_67, %dma_start3A_68] : memref<62500x16xf32, #tpu.memory_space<hbm>> -> memref<62500x16xf32, #tpu.memory_space<hbm>>
    tpu.enqueue_indirect_dma source(%dma_start3A_69 : memref<62500x16xf32, #tpu.memory_space<hbm>>) target(%arg15 : memref<1664x16xf32, #tpu.memory_space<vmem>>) offsets(%arg11 : memref<1664xi32, #tpu.memory_space<vmem>>) semaphore(%arg20 : memref<!tpu.dma_semaphore, #tpu.memory_space<semaphore_mem>>)
    %mul3A_70 = arith.constant 13312 : i32
    %mul3A_71 = arith.muli %add3A, %mul3A_70 : i32
    %add3A_72 = arith.constant 3328 : i32
    %add3A_73 = arith.addi %mul3A_71, %add3A_72 : i32
    %dma_wait3A_74 = arith.constant 0 : i32
    %dma_wait3A_75 = arith.constant 0 : i32
    %dma_wait3A_76 = tpu.memref_slice %arg4[%dma_wait3A_74, %dma_wait3A_75] : memref<1000000x16xf32, #tpu.memory_space<hbm>> -> memref<1000000x16xf32, #tpu.memory_space<hbm>>
    tpu.wait_indirect_dma semaphore(%arg17 : memref<!tpu.dma_semaphore, #tpu.memory_space<semaphore_mem>>) src(%dma_wait3A_76 : memref<1000000x16xf32, #tpu.memory_space<hbm>>) dst(%arg12 : memref<1664x16xf32, #tpu.memory_space<vmem>>)
    %dma_wait3A_77 = arith.constant 0 : i32
    %dma_wait3A_78 = arith.constant 0 : i32
    %dma_wait3A_79 = tpu.memref_slice %arg5[%dma_wait3A_77, %dma_wait3A_78] : memref<62500x16xf32, #tpu.memory_space<hbm>> -> memref<62500x16xf32, #tpu.memory_space<hbm>>
    tpu.wait_indirect_dma semaphore(%arg19 : memref<!tpu.dma_semaphore, #tpu.memory_space<semaphore_mem>>) src(%dma_wait3A_79 : memref<62500x16xf32, #tpu.memory_space<hbm>>) dst(%arg14 : memref<1664x16xf32, #tpu.memory_space<vmem>>)
    %scan3A_80 = arith.constant 0 : i32
    %scan3A_81 = arith.constant 0 : i32
    %scan3A_82 = arith.constant 104 : i32
    %scan3A_83 = arith.addi %scan3A_81, %scan3A_82 : i32
    %scan3A_84 = arith.constant 1 : i32
    scf.for %scan3A_206 = %scan3A_81 to %scan3A_83 step %scan3A_84  : i32 {
      %mul3A_207 = arith.constant 16 : i32
      %mul3A_208 = arith.muli %scan3A_206, %mul3A_207 : i32
      %get3A = arith.index_cast %mul3A_208 : i32 to index
      %get3A_209 = tpu.vector_load %arg8[%get3A] {strides = array<i32>} : memref<1664xi32, #tpu.memory_space<vmem>>, vector<16xi32>,
      %and3A = arith.constant 15 : i32
      %and3A_210 = vector.broadcast %and3A : i32 to vector<16xi32>
      %and3A_211 = arith.andi %get3A_209, %and3A_210 : vector<16xi32>
      %add3A_212 = vector.broadcast %mul3A_208 : i32 to vector<16xi32>
      %add3A_213 = arith.addi %iota3A, %add3A_212 : vector<16xi32>
      %gather3A = tpu.vector_load_idx %arg14[%add3A_213, %and3A_211] : memref<1664x16xf32, #tpu.memory_space<vmem>>[vector<16xi32>, vector<16xi32>], vector<16xf32>,
      %swap3A = arith.index_cast %mul3A_208 : i32 to index
      %swap3A_214 = tpu.vector_load %arg16[%swap3A] {strides = array<i32>} : memref<1664xf32, #tpu.memory_space<vmem>>, vector<16xf32>,
      tpu.vector_store %arg16[%swap3A], %gather3A {strides = array<i32>} : memref<1664xf32, #tpu.memory_space<vmem>>, vector<16xf32>,
    }
    %scan3A_85 = arith.constant 104 : i32
    "tpu.region"() ({
      %run_scoped3A = tpu.sem_alloc : memref<!tpu.dma_semaphore, #tpu.memory_space<semaphore_mem>>
      %dma_start3A_206 = arith.constant 0 : i32
      %dma_start3A_207 = tpu.memref_slice %arg6[%add3A_73, %dma_start3A_206] : memref<425984x16xf32, #tpu.memory_space<hbm>> -> memref<1664x16xf32, #tpu.memory_space<hbm>>
      %dma_start3A_208 = arith.constant 0 : i32
      %dma_start3A_209 = tpu.memref_slice %arg6[%add3A_73, %dma_start3A_208] : memref<425984x16xf32, #tpu.memory_space<hbm>> -> memref<1664x16xf32, #tpu.memory_space<hbm>>
      tpu.enqueue_dma source(%arg12 : memref<1664x16xf32, #tpu.memory_space<vmem>>) target(%dma_start3A_209 : memref<1664x16xf32, #tpu.memory_space<hbm>>) target_semaphore(%run_scoped3A : memref<!tpu.dma_semaphore, #tpu.memory_space<semaphore_mem>>)
      %dma_wait3A_210 = arith.constant 0 : i32
      %dma_wait3A_211 = tpu.memref_slice %arg6[%add3A_73, %dma_wait3A_210] : memref<425984x16xf32, #tpu.memory_space<hbm>> -> memref<1664x16xf32, #tpu.memory_space<hbm>>
      %dma_wait3A_212 = arith.constant 0 : i32
      %dma_wait3A_213 = tpu.memref_slice %arg6[%add3A_73, %dma_wait3A_212] : memref<425984x16xf32, #tpu.memory_space<hbm>> -> memref<1664x16xf32, #tpu.memory_space<hbm>>
      tpu.wait_dma2 semaphore(%run_scoped3A : memref<!tpu.dma_semaphore, #tpu.memory_space<semaphore_mem>>) src(%arg12 : memref<1664x16xf32, #tpu.memory_space<vmem>>) dst(%dma_wait3A_213 : memref<1664x16xf32, #tpu.memory_space<hbm>>)
      tpu.yield
    }) : () -> ()
    "tpu.region"() ({
      %run_scoped3A = tpu.sem_alloc : memref<!tpu.dma_semaphore, #tpu.memory_space<semaphore_mem>>
      %dma_start3A_206 = tpu.memref_slice %arg7[%add3A_73] : memref<425984xf32, #tpu.memory_space<hbm>> -> memref<1664xf32, #tpu.memory_space<hbm>>
      %dma_start3A_207 = tpu.memref_slice %arg7[%add3A_73] : memref<425984xf32, #tpu.memory_space<hbm>> -> memref<1664xf32, #tpu.memory_space<hbm>>
      tpu.enqueue_dma source(%arg16 : memref<1664xf32, #tpu.memory_space<vmem>>) target(%dma_start3A_207 : memref<1664xf32, #tpu.memory_space<hbm>>) target_semaphore(%run_scoped3A : memref<!tpu.dma_semaphore, #tpu.memory_space<semaphore_mem>>)
      %dma_wait3A_208 = tpu.memref_slice %arg7[%add3A_73] : memref<425984xf32, #tpu.memory_space<hbm>> -> memref<1664xf32, #tpu.memory_space<hbm>>
      %dma_wait3A_209 = tpu.memref_slice %arg7[%add3A_73] : memref<425984xf32, #tpu.memory_space<hbm>> -> memref<1664xf32, #tpu.memory_space<hbm>>
      tpu.wait_dma2 semaphore(%run_scoped3A : memref<!tpu.dma_semaphore, #tpu.memory_space<semaphore_mem>>) src(%arg16 : memref<1664xf32, #tpu.memory_space<vmem>>) dst(%dma_wait3A_209 : memref<1664xf32, #tpu.memory_space<hbm>>)
      tpu.yield
    }) : () -> ()
    %mul3A_86 = arith.constant 13312 : i32
    %mul3A_87 = arith.muli %add3A, %mul3A_86 : i32
    %add3A_88 = arith.constant 6656 : i32
    %add3A_89 = arith.addi %mul3A_87, %add3A_88 : i32
    "tpu.region"() ({
      %run_scoped3A = tpu.sem_alloc : memref<!tpu.dma_semaphore, #tpu.memory_space<semaphore_mem>>
      %dma_start3A_206 = tpu.memref_slice %arg2[%add3A_89] : memref<425984xi32, #tpu.memory_space<hbm>> -> memref<1664xi32, #tpu.memory_space<hbm>>
      %dma_start3A_207 = tpu.memref_slice %arg2[%add3A_89] : memref<425984xi32, #tpu.memory_space<hbm>> -> memref<1664xi32, #tpu.memory_space<hbm>>
      tpu.enqueue_dma source(%dma_start3A_207 : memref<1664xi32, #tpu.memory_space<hbm>>) target(%arg8 : memref<1664xi32, #tpu.memory_space<vmem>>) target_semaphore(%run_scoped3A : memref<!tpu.dma_semaphore, #tpu.memory_space<semaphore_mem>>)
      %dma_wait3A_208 = tpu.memref_slice %arg2[%add3A_89] : memref<425984xi32, #tpu.memory_space<hbm>> -> memref<1664xi32, #tpu.memory_space<hbm>>
      %dma_wait3A_209 = tpu.memref_slice %arg2[%add3A_89] : memref<425984xi32, #tpu.memory_space<hbm>> -> memref<1664xi32, #tpu.memory_space<hbm>>
      tpu.wait_dma2 semaphore(%run_scoped3A : memref<!tpu.dma_semaphore, #tpu.memory_space<semaphore_mem>>) src(%dma_wait3A_209 : memref<1664xi32, #tpu.memory_space<hbm>>) dst(%arg8 : memref<1664xi32, #tpu.memory_space<vmem>>)
      tpu.yield
    }) : () -> ()
    "tpu.region"() ({
      %run_scoped3A = tpu.sem_alloc : memref<!tpu.dma_semaphore, #tpu.memory_space<semaphore_mem>>
      %dma_start3A_206 = tpu.memref_slice %arg3[%add3A_89] : memref<425984xi32, #tpu.memory_space<hbm>> -> memref<1664xi32, #tpu.memory_space<hbm>>
      %dma_start3A_207 = tpu.memref_slice %arg3[%add3A_89] : memref<425984xi32, #tpu.memory_space<hbm>> -> memref<1664xi32, #tpu.memory_space<hbm>>
      tpu.enqueue_dma source(%dma_start3A_207 : memref<1664xi32, #tpu.memory_space<hbm>>) target(%arg10 : memref<1664xi32, #tpu.memory_space<vmem>>) target_semaphore(%run_scoped3A : memref<!tpu.dma_semaphore, #tpu.memory_space<semaphore_mem>>)
      %dma_wait3A_208 = tpu.memref_slice %arg3[%add3A_89] : memref<425984xi32, #tpu.memory_space<hbm>> -> memref<1664xi32, #tpu.memory_space<hbm>>
      %dma_wait3A_209 = tpu.memref_slice %arg3[%add3A_89] : memref<425984xi32, #tpu.memory_space<hbm>> -> memref<1664xi32, #tpu.memory_space<hbm>>
      tpu.wait_dma2 semaphore(%run_scoped3A : memref<!tpu.dma_semaphore, #tpu.memory_space<semaphore_mem>>) src(%dma_wait3A_209 : memref<1664xi32, #tpu.memory_space<hbm>>) dst(%arg10 : memref<1664xi32, #tpu.memory_space<vmem>>)
      tpu.yield
    }) : () -> ()
    %dma_start3A_90 = arith.constant 0 : i32
    %dma_start3A_91 = arith.constant 0 : i32
    %dma_start3A_92 = tpu.memref_slice %arg4[%dma_start3A_90, %dma_start3A_91] : memref<1000000x16xf32, #tpu.memory_space<hbm>> -> memref<1000000x16xf32, #tpu.memory_space<hbm>>
    tpu.enqueue_indirect_dma source(%dma_start3A_92 : memref<1000000x16xf32, #tpu.memory_space<hbm>>) target(%arg12 : memref<1664x16xf32, #tpu.memory_space<vmem>>) offsets(%arg8 : memref<1664xi32, #tpu.memory_space<vmem>>) semaphore(%arg17 : memref<!tpu.dma_semaphore, #tpu.memory_space<semaphore_mem>>)
    %dma_start3A_93 = arith.constant 0 : i32
    %dma_start3A_94 = arith.constant 0 : i32
    %dma_start3A_95 = tpu.memref_slice %arg5[%dma_start3A_93, %dma_start3A_94] : memref<62500x16xf32, #tpu.memory_space<hbm>> -> memref<62500x16xf32, #tpu.memory_space<hbm>>
    tpu.enqueue_indirect_dma source(%dma_start3A_95 : memref<62500x16xf32, #tpu.memory_space<hbm>>) target(%arg14 : memref<1664x16xf32, #tpu.memory_space<vmem>>) offsets(%arg10 : memref<1664xi32, #tpu.memory_space<vmem>>) semaphore(%arg19 : memref<!tpu.dma_semaphore, #tpu.memory_space<semaphore_mem>>)
    %mul3A_96 = arith.constant 13312 : i32
    %mul3A_97 = arith.muli %add3A, %mul3A_96 : i32
    %add3A_98 = arith.constant 4992 : i32
    %add3A_99 = arith.addi %mul3A_97, %add3A_98 : i32
    %dma_wait3A_100 = arith.constant 0 : i32
    %dma_wait3A_101 = arith.constant 0 : i32
    %dma_wait3A_102 = tpu.memref_slice %arg4[%dma_wait3A_100, %dma_wait3A_101] : memref<1000000x16xf32, #tpu.memory_space<hbm>> -> memref<1000000x16xf32, #tpu.memory_space<hbm>>
    tpu.wait_indirect_dma semaphore(%arg18 : memref<!tpu.dma_semaphore, #tpu.memory_space<semaphore_mem>>) src(%dma_wait3A_102 : memref<1000000x16xf32, #tpu.memory_space<hbm>>) dst(%arg13 : memref<1664x16xf32, #tpu.memory_space<vmem>>)
    %dma_wait3A_103 = arith.constant 0 : i32
    %dma_wait3A_104 = arith.constant 0 : i32
    %dma_wait3A_105 = tpu.memref_slice %arg5[%dma_wait3A_103, %dma_wait3A_104] : memref<62500x16xf32, #tpu.memory_space<hbm>> -> memref<62500x16xf32, #tpu.memory_space<hbm>>
    tpu.wait_indirect_dma semaphore(%arg20 : memref<!tpu.dma_semaphore, #tpu.memory_space<semaphore_mem>>) src(%dma_wait3A_105 : memref<62500x16xf32, #tpu.memory_space<hbm>>) dst(%arg15 : memref<1664x16xf32, #tpu.memory_space<vmem>>)
    %scan3A_106 = arith.constant 0 : i32
    %scan3A_107 = arith.constant 0 : i32
    %scan3A_108 = arith.constant 104 : i32
    %scan3A_109 = arith.addi %scan3A_107, %scan3A_108 : i32
    %scan3A_110 = arith.constant 1 : i32
    scf.for %scan3A_206 = %scan3A_107 to %scan3A_109 step %scan3A_110  : i32 {
      %mul3A_207 = arith.constant 16 : i32
      %mul3A_208 = arith.muli %scan3A_206, %mul3A_207 : i32
      %get3A = arith.index_cast %mul3A_208 : i32 to index
      %get3A_209 = tpu.vector_load %arg9[%get3A] {strides = array<i32>} : memref<1664xi32, #tpu.memory_space<vmem>>, vector<16xi32>,
      %and3A = arith.constant 15 : i32
      %and3A_210 = vector.broadcast %and3A : i32 to vector<16xi32>
      %and3A_211 = arith.andi %get3A_209, %and3A_210 : vector<16xi32>
      %add3A_212 = vector.broadcast %mul3A_208 : i32 to vector<16xi32>
      %add3A_213 = arith.addi %iota3A, %add3A_212 : vector<16xi32>
      %gather3A = tpu.vector_load_idx %arg15[%add3A_213, %and3A_211] : memref<1664x16xf32, #tpu.memory_space<vmem>>[vector<16xi32>, vector<16xi32>], vector<16xf32>,
      %swap3A = arith.index_cast %mul3A_208 : i32 to index
      %swap3A_214 = tpu.vector_load %arg16[%swap3A] {strides = array<i32>} : memref<1664xf32, #tpu.memory_space<vmem>>, vector<16xf32>,
      tpu.vector_store %arg16[%swap3A], %gather3A {strides = array<i32>} : memref<1664xf32, #tpu.memory_space<vmem>>, vector<16xf32>,
    }
    %scan3A_111 = arith.constant 104 : i32
    "tpu.region"() ({
      %run_scoped3A = tpu.sem_alloc : memref<!tpu.dma_semaphore, #tpu.memory_space<semaphore_mem>>
      %dma_start3A_206 = arith.constant 0 : i32
      %dma_start3A_207 = tpu.memref_slice %arg6[%add3A_99, %dma_start3A_206] : memref<425984x16xf32, #tpu.memory_space<hbm>> -> memref<1664x16xf32, #tpu.memory_space<hbm>>
      %dma_start3A_208 = arith.constant 0 : i32
      %dma_start3A_209 = tpu.memref_slice %arg6[%add3A_99, %dma_start3A_208] : memref<425984x16xf32, #tpu.memory_space<hbm>> -> memref<1664x16xf32, #tpu.memory_space<hbm>>
      tpu.enqueue_dma source(%arg13 : memref<1664x16xf32, #tpu.memory_space<vmem>>) target(%dma_start3A_209 : memref<1664x16xf32, #tpu.memory_space<hbm>>) target_semaphore(%run_scoped3A : memref<!tpu.dma_semaphore, #tpu.memory_space<semaphore_mem>>)
      %dma_wait3A_210 = arith.constant 0 : i32
      %dma_wait3A_211 = tpu.memref_slice %arg6[%add3A_99, %dma_wait3A_210] : memref<425984x16xf32, #tpu.memory_space<hbm>> -> memref<1664x16xf32, #tpu.memory_space<hbm>>
      %dma_wait3A_212 = arith.constant 0 : i32
      %dma_wait3A_213 = tpu.memref_slice %arg6[%add3A_99, %dma_wait3A_212] : memref<425984x16xf32, #tpu.memory_space<hbm>> -> memref<1664x16xf32, #tpu.memory_space<hbm>>
      tpu.wait_dma2 semaphore(%run_scoped3A : memref<!tpu.dma_semaphore, #tpu.memory_space<semaphore_mem>>) src(%arg13 : memref<1664x16xf32, #tpu.memory_space<vmem>>) dst(%dma_wait3A_213 : memref<1664x16xf32, #tpu.memory_space<hbm>>)
      tpu.yield
    }) : () -> ()
    "tpu.region"() ({
      %run_scoped3A = tpu.sem_alloc : memref<!tpu.dma_semaphore, #tpu.memory_space<semaphore_mem>>
      %dma_start3A_206 = tpu.memref_slice %arg7[%add3A_99] : memref<425984xf32, #tpu.memory_space<hbm>> -> memref<1664xf32, #tpu.memory_space<hbm>>
      %dma_start3A_207 = tpu.memref_slice %arg7[%add3A_99] : memref<425984xf32, #tpu.memory_space<hbm>> -> memref<1664xf32, #tpu.memory_space<hbm>>
      tpu.enqueue_dma source(%arg16 : memref<1664xf32, #tpu.memory_space<vmem>>) target(%dma_start3A_207 : memref<1664xf32, #tpu.memory_space<hbm>>) target_semaphore(%run_scoped3A : memref<!tpu.dma_semaphore, #tpu.memory_space<semaphore_mem>>)
      %dma_wait3A_208 = tpu.memref_slice %arg7[%add3A_99] : memref<425984xf32, #tpu.memory_space<hbm>> -> memref<1664xf32, #tpu.memory_space<hbm>>
      %dma_wait3A_209 = tpu.memref_slice %arg7[%add3A_99] : memref<425984xf32, #tpu.memory_space<hbm>> -> memref<1664xf32, #tpu.memory_space<hbm>>
      tpu.wait_dma2 semaphore(%run_scoped3A : memref<!tpu.dma_semaphore, #tpu.memory_space<semaphore_mem>>) src(%arg16 : memref<1664xf32, #tpu.memory_space<vmem>>) dst(%dma_wait3A_209 : memref<1664xf32, #tpu.memory_space<hbm>>)
      tpu.yield
    }) : () -> ()
    %mul3A_112 = arith.constant 13312 : i32
    %mul3A_113 = arith.muli %add3A, %mul3A_112 : i32
    %add3A_114 = arith.constant 8320 : i32
    %add3A_115 = arith.addi %mul3A_113, %add3A_114 : i32
    "tpu.region"() ({
      %run_scoped3A = tpu.sem_alloc : memref<!tpu.dma_semaphore, #tpu.memory_space<semaphore_mem>>
      %dma_start3A_206 = tpu.memref_slice %arg2[%add3A_115] : memref<425984xi32, #tpu.memory_space<hbm>> -> memref<1664xi32, #tpu.memory_space<hbm>>
      %dma_start3A_207 = tpu.memref_slice %arg2[%add3A_115] : memref<425984xi32, #tpu.memory_space<hbm>> -> memref<1664xi32, #tpu.memory_space<hbm>>
      tpu.enqueue_dma source(%dma_start3A_207 : memref<1664xi32, #tpu.memory_space<hbm>>) target(%arg9 : memref<1664xi32, #tpu.memory_space<vmem>>) target_semaphore(%run_scoped3A : memref<!tpu.dma_semaphore, #tpu.memory_space<semaphore_mem>>)
      %dma_wait3A_208 = tpu.memref_slice %arg2[%add3A_115] : memref<425984xi32, #tpu.memory_space<hbm>> -> memref<1664xi32, #tpu.memory_space<hbm>>
      %dma_wait3A_209 = tpu.memref_slice %arg2[%add3A_115] : memref<425984xi32, #tpu.memory_space<hbm>> -> memref<1664xi32, #tpu.memory_space<hbm>>
      tpu.wait_dma2 semaphore(%run_scoped3A : memref<!tpu.dma_semaphore, #tpu.memory_space<semaphore_mem>>) src(%dma_wait3A_209 : memref<1664xi32, #tpu.memory_space<hbm>>) dst(%arg9 : memref<1664xi32, #tpu.memory_space<vmem>>)
      tpu.yield
    }) : () -> ()
    "tpu.region"() ({
      %run_scoped3A = tpu.sem_alloc : memref<!tpu.dma_semaphore, #tpu.memory_space<semaphore_mem>>
      %dma_start3A_206 = tpu.memref_slice %arg3[%add3A_115] : memref<425984xi32, #tpu.memory_space<hbm>> -> memref<1664xi32, #tpu.memory_space<hbm>>
      %dma_start3A_207 = tpu.memref_slice %arg3[%add3A_115] : memref<425984xi32, #tpu.memory_space<hbm>> -> memref<1664xi32, #tpu.memory_space<hbm>>
      tpu.enqueue_dma source(%dma_start3A_207 : memref<1664xi32, #tpu.memory_space<hbm>>) target(%arg11 : memref<1664xi32, #tpu.memory_space<vmem>>) target_semaphore(%run_scoped3A : memref<!tpu.dma_semaphore, #tpu.memory_space<semaphore_mem>>)
      %dma_wait3A_208 = tpu.memref_slice %arg3[%add3A_115] : memref<425984xi32, #tpu.memory_space<hbm>> -> memref<1664xi32, #tpu.memory_space<hbm>>
      %dma_wait3A_209 = tpu.memref_slice %arg3[%add3A_115] : memref<425984xi32, #tpu.memory_space<hbm>> -> memref<1664xi32, #tpu.memory_space<hbm>>
      tpu.wait_dma2 semaphore(%run_scoped3A : memref<!tpu.dma_semaphore, #tpu.memory_space<semaphore_mem>>) src(%dma_wait3A_209 : memref<1664xi32, #tpu.memory_space<hbm>>) dst(%arg11 : memref<1664xi32, #tpu.memory_space<vmem>>)
      tpu.yield
    }) : () -> ()
    %dma_start3A_116 = arith.constant 0 : i32
    %dma_start3A_117 = arith.constant 0 : i32
    %dma_start3A_118 = tpu.memref_slice %arg4[%dma_start3A_116, %dma_start3A_117] : memref<1000000x16xf32, #tpu.memory_space<hbm>> -> memref<1000000x16xf32, #tpu.memory_space<hbm>>
    tpu.enqueue_indirect_dma source(%dma_start3A_118 : memref<1000000x16xf32, #tpu.memory_space<hbm>>) target(%arg13 : memref<1664x16xf32, #tpu.memory_space<vmem>>) offsets(%arg9 : memref<1664xi32, #tpu.memory_space<vmem>>) semaphore(%arg18 : memref<!tpu.dma_semaphore, #tpu.memory_space<semaphore_mem>>)
    %dma_start3A_119 = arith.constant 0 : i32
    %dma_start3A_120 = arith.constant 0 : i32
    %dma_start3A_121 = tpu.memref_slice %arg5[%dma_start3A_119, %dma_start3A_120] : memref<62500x16xf32, #tpu.memory_space<hbm>> -> memref<62500x16xf32, #tpu.memory_space<hbm>>
    tpu.enqueue_indirect_dma source(%dma_start3A_121 : memref<62500x16xf32, #tpu.memory_space<hbm>>) target(%arg15 : memref<1664x16xf32, #tpu.memory_space<vmem>>) offsets(%arg11 : memref<1664xi32, #tpu.memory_space<vmem>>) semaphore(%arg20 : memref<!tpu.dma_semaphore, #tpu.memory_space<semaphore_mem>>)
    %mul3A_122 = arith.constant 13312 : i32
    %mul3A_123 = arith.muli %add3A, %mul3A_122 : i32
    %add3A_124 = arith.constant 6656 : i32
    %add3A_125 = arith.addi %mul3A_123, %add3A_124 : i32
    %dma_wait3A_126 = arith.constant 0 : i32
    %dma_wait3A_127 = arith.constant 0 : i32
    %dma_wait3A_128 = tpu.memref_slice %arg4[%dma_wait3A_126, %dma_wait3A_127] : memref<1000000x16xf32, #tpu.memory_space<hbm>> -> memref<1000000x16xf32, #tpu.memory_space<hbm>>
    tpu.wait_indirect_dma semaphore(%arg17 : memref<!tpu.dma_semaphore, #tpu.memory_space<semaphore_mem>>) src(%dma_wait3A_128 : memref<1000000x16xf32, #tpu.memory_space<hbm>>) dst(%arg12 : memref<1664x16xf32, #tpu.memory_space<vmem>>)
    %dma_wait3A_129 = arith.constant 0 : i32
    %dma_wait3A_130 = arith.constant 0 : i32
    %dma_wait3A_131 = tpu.memref_slice %arg5[%dma_wait3A_129, %dma_wait3A_130] : memref<62500x16xf32, #tpu.memory_space<hbm>> -> memref<62500x16xf32, #tpu.memory_space<hbm>>
    tpu.wait_indirect_dma semaphore(%arg19 : memref<!tpu.dma_semaphore, #tpu.memory_space<semaphore_mem>>) src(%dma_wait3A_131 : memref<62500x16xf32, #tpu.memory_space<hbm>>) dst(%arg14 : memref<1664x16xf32, #tpu.memory_space<vmem>>)
    %scan3A_132 = arith.constant 0 : i32
    %scan3A_133 = arith.constant 0 : i32
    %scan3A_134 = arith.constant 104 : i32
    %scan3A_135 = arith.addi %scan3A_133, %scan3A_134 : i32
    %scan3A_136 = arith.constant 1 : i32
    scf.for %scan3A_206 = %scan3A_133 to %scan3A_135 step %scan3A_136  : i32 {
      %mul3A_207 = arith.constant 16 : i32
      %mul3A_208 = arith.muli %scan3A_206, %mul3A_207 : i32
      %get3A = arith.index_cast %mul3A_208 : i32 to index
      %get3A_209 = tpu.vector_load %arg8[%get3A] {strides = array<i32>} : memref<1664xi32, #tpu.memory_space<vmem>>, vector<16xi32>,
      %and3A = arith.constant 15 : i32
      %and3A_210 = vector.broadcast %and3A : i32 to vector<16xi32>
      %and3A_211 = arith.andi %get3A_209, %and3A_210 : vector<16xi32>
      %add3A_212 = vector.broadcast %mul3A_208 : i32 to vector<16xi32>
      %add3A_213 = arith.addi %iota3A, %add3A_212 : vector<16xi32>
      %gather3A = tpu.vector_load_idx %arg14[%add3A_213, %and3A_211] : memref<1664x16xf32, #tpu.memory_space<vmem>>[vector<16xi32>, vector<16xi32>], vector<16xf32>,
      %swap3A = arith.index_cast %mul3A_208 : i32 to index
      %swap3A_214 = tpu.vector_load %arg16[%swap3A] {strides = array<i32>} : memref<1664xf32, #tpu.memory_space<vmem>>, vector<16xf32>,
      tpu.vector_store %arg16[%swap3A], %gather3A {strides = array<i32>} : memref<1664xf32, #tpu.memory_space<vmem>>, vector<16xf32>,
    }
    %scan3A_137 = arith.constant 104 : i32
    "tpu.region"() ({
      %run_scoped3A = tpu.sem_alloc : memref<!tpu.dma_semaphore, #tpu.memory_space<semaphore_mem>>
      %dma_start3A_206 = arith.constant 0 : i32
      %dma_start3A_207 = tpu.memref_slice %arg6[%add3A_125, %dma_start3A_206] : memref<425984x16xf32, #tpu.memory_space<hbm>> -> memref<1664x16xf32, #tpu.memory_space<hbm>>
      %dma_start3A_208 = arith.constant 0 : i32
      %dma_start3A_209 = tpu.memref_slice %arg6[%add3A_125, %dma_start3A_208] : memref<425984x16xf32, #tpu.memory_space<hbm>> -> memref<1664x16xf32, #tpu.memory_space<hbm>>
      tpu.enqueue_dma source(%arg12 : memref<1664x16xf32, #tpu.memory_space<vmem>>) target(%dma_start3A_209 : memref<1664x16xf32, #tpu.memory_space<hbm>>) target_semaphore(%run_scoped3A : memref<!tpu.dma_semaphore, #tpu.memory_space<semaphore_mem>>)
      %dma_wait3A_210 = arith.constant 0 : i32
      %dma_wait3A_211 = tpu.memref_slice %arg6[%add3A_125, %dma_wait3A_210] : memref<425984x16xf32, #tpu.memory_space<hbm>> -> memref<1664x16xf32, #tpu.memory_space<hbm>>
      %dma_wait3A_212 = arith.constant 0 : i32
      %dma_wait3A_213 = tpu.memref_slice %arg6[%add3A_125, %dma_wait3A_212] : memref<425984x16xf32, #tpu.memory_space<hbm>> -> memref<1664x16xf32, #tpu.memory_space<hbm>>
      tpu.wait_dma2 semaphore(%run_scoped3A : memref<!tpu.dma_semaphore, #tpu.memory_space<semaphore_mem>>) src(%arg12 : memref<1664x16xf32, #tpu.memory_space<vmem>>) dst(%dma_wait3A_213 : memref<1664x16xf32, #tpu.memory_space<hbm>>)
      tpu.yield
    }) : () -> ()
    "tpu.region"() ({
      %run_scoped3A = tpu.sem_alloc : memref<!tpu.dma_semaphore, #tpu.memory_space<semaphore_mem>>
      %dma_start3A_206 = tpu.memref_slice %arg7[%add3A_125] : memref<425984xf32, #tpu.memory_space<hbm>> -> memref<1664xf32, #tpu.memory_space<hbm>>
      %dma_start3A_207 = tpu.memref_slice %arg7[%add3A_125] : memref<425984xf32, #tpu.memory_space<hbm>> -> memref<1664xf32, #tpu.memory_space<hbm>>
      tpu.enqueue_dma source(%arg16 : memref<1664xf32, #tpu.memory_space<vmem>>) target(%dma_start3A_207 : memref<1664xf32, #tpu.memory_space<hbm>>) target_semaphore(%run_scoped3A : memref<!tpu.dma_semaphore, #tpu.memory_space<semaphore_mem>>)
      %dma_wait3A_208 = tpu.memref_slice %arg7[%add3A_125] : memref<425984xf32, #tpu.memory_space<hbm>> -> memref<1664xf32, #tpu.memory_space<hbm>>
      %dma_wait3A_209 = tpu.memref_slice %arg7[%add3A_125] : memref<425984xf32, #tpu.memory_space<hbm>> -> memref<1664xf32, #tpu.memory_space<hbm>>
      tpu.wait_dma2 semaphore(%run_scoped3A : memref<!tpu.dma_semaphore, #tpu.memory_space<semaphore_mem>>) src(%arg16 : memref<1664xf32, #tpu.memory_space<vmem>>) dst(%dma_wait3A_209 : memref<1664xf32, #tpu.memory_space<hbm>>)
      tpu.yield
    }) : () -> ()
    %mul3A_138 = arith.constant 13312 : i32
    %mul3A_139 = arith.muli %add3A, %mul3A_138 : i32
    %add3A_140 = arith.constant 9984 : i32
    %add3A_141 = arith.addi %mul3A_139, %add3A_140 : i32
    "tpu.region"() ({
      %run_scoped3A = tpu.sem_alloc : memref<!tpu.dma_semaphore, #tpu.memory_space<semaphore_mem>>
      %dma_start3A_206 = tpu.memref_slice %arg2[%add3A_141] : memref<425984xi32, #tpu.memory_space<hbm>> -> memref<1664xi32, #tpu.memory_space<hbm>>
      %dma_start3A_207 = tpu.memref_slice %arg2[%add3A_141] : memref<425984xi32, #tpu.memory_space<hbm>> -> memref<1664xi32, #tpu.memory_space<hbm>>
      tpu.enqueue_dma source(%dma_start3A_207 : memref<1664xi32, #tpu.memory_space<hbm>>) target(%arg8 : memref<1664xi32, #tpu.memory_space<vmem>>) target_semaphore(%run_scoped3A : memref<!tpu.dma_semaphore, #tpu.memory_space<semaphore_mem>>)
      %dma_wait3A_208 = tpu.memref_slice %arg2[%add3A_141] : memref<425984xi32, #tpu.memory_space<hbm>> -> memref<1664xi32, #tpu.memory_space<hbm>>
      %dma_wait3A_209 = tpu.memref_slice %arg2[%add3A_141] : memref<425984xi32, #tpu.memory_space<hbm>> -> memref<1664xi32, #tpu.memory_space<hbm>>
      tpu.wait_dma2 semaphore(%run_scoped3A : memref<!tpu.dma_semaphore, #tpu.memory_space<semaphore_mem>>) src(%dma_wait3A_209 : memref<1664xi32, #tpu.memory_space<hbm>>) dst(%arg8 : memref<1664xi32, #tpu.memory_space<vmem>>)
      tpu.yield
    }) : () -> ()
    "tpu.region"() ({
      %run_scoped3A = tpu.sem_alloc : memref<!tpu.dma_semaphore, #tpu.memory_space<semaphore_mem>>
      %dma_start3A_206 = tpu.memref_slice %arg3[%add3A_141] : memref<425984xi32, #tpu.memory_space<hbm>> -> memref<1664xi32, #tpu.memory_space<hbm>>
      %dma_start3A_207 = tpu.memref_slice %arg3[%add3A_141] : memref<425984xi32, #tpu.memory_space<hbm>> -> memref<1664xi32, #tpu.memory_space<hbm>>
      tpu.enqueue_dma source(%dma_start3A_207 : memref<1664xi32, #tpu.memory_space<hbm>>) target(%arg10 : memref<1664xi32, #tpu.memory_space<vmem>>) target_semaphore(%run_scoped3A : memref<!tpu.dma_semaphore, #tpu.memory_space<semaphore_mem>>)
      %dma_wait3A_208 = tpu.memref_slice %arg3[%add3A_141] : memref<425984xi32, #tpu.memory_space<hbm>> -> memref<1664xi32, #tpu.memory_space<hbm>>
      %dma_wait3A_209 = tpu.memref_slice %arg3[%add3A_141] : memref<425984xi32, #tpu.memory_space<hbm>> -> memref<1664xi32, #tpu.memory_space<hbm>>
      tpu.wait_dma2 semaphore(%run_scoped3A : memref<!tpu.dma_semaphore, #tpu.memory_space<semaphore_mem>>) src(%dma_wait3A_209 : memref<1664xi32, #tpu.memory_space<hbm>>) dst(%arg10 : memref<1664xi32, #tpu.memory_space<vmem>>)
      tpu.yield
    }) : () -> ()
    %dma_start3A_142 = arith.constant 0 : i32
    %dma_start3A_143 = arith.constant 0 : i32
    %dma_start3A_144 = tpu.memref_slice %arg4[%dma_start3A_142, %dma_start3A_143] : memref<1000000x16xf32, #tpu.memory_space<hbm>> -> memref<1000000x16xf32, #tpu.memory_space<hbm>>
    tpu.enqueue_indirect_dma source(%dma_start3A_144 : memref<1000000x16xf32, #tpu.memory_space<hbm>>) target(%arg12 : memref<1664x16xf32, #tpu.memory_space<vmem>>) offsets(%arg8 : memref<1664xi32, #tpu.memory_space<vmem>>) semaphore(%arg17 : memref<!tpu.dma_semaphore, #tpu.memory_space<semaphore_mem>>)
    %dma_start3A_145 = arith.constant 0 : i32
    %dma_start3A_146 = arith.constant 0 : i32
    %dma_start3A_147 = tpu.memref_slice %arg5[%dma_start3A_145, %dma_start3A_146] : memref<62500x16xf32, #tpu.memory_space<hbm>> -> memref<62500x16xf32, #tpu.memory_space<hbm>>
    tpu.enqueue_indirect_dma source(%dma_start3A_147 : memref<62500x16xf32, #tpu.memory_space<hbm>>) target(%arg14 : memref<1664x16xf32, #tpu.memory_space<vmem>>) offsets(%arg10 : memref<1664xi32, #tpu.memory_space<vmem>>) semaphore(%arg19 : memref<!tpu.dma_semaphore, #tpu.memory_space<semaphore_mem>>)
    %mul3A_148 = arith.constant 13312 : i32
    %mul3A_149 = arith.muli %add3A, %mul3A_148 : i32
    %add3A_150 = arith.constant 8320 : i32
    %add3A_151 = arith.addi %mul3A_149, %add3A_150 : i32
    %dma_wait3A_152 = arith.constant 0 : i32
    %dma_wait3A_153 = arith.constant 0 : i32
    %dma_wait3A_154 = tpu.memref_slice %arg4[%dma_wait3A_152, %dma_wait3A_153] : memref<1000000x16xf32, #tpu.memory_space<hbm>> -> memref<1000000x16xf32, #tpu.memory_space<hbm>>
    tpu.wait_indirect_dma semaphore(%arg18 : memref<!tpu.dma_semaphore, #tpu.memory_space<semaphore_mem>>) src(%dma_wait3A_154 : memref<1000000x16xf32, #tpu.memory_space<hbm>>) dst(%arg13 : memref<1664x16xf32, #tpu.memory_space<vmem>>)
    %dma_wait3A_155 = arith.constant 0 : i32
    %dma_wait3A_156 = arith.constant 0 : i32
    %dma_wait3A_157 = tpu.memref_slice %arg5[%dma_wait3A_155, %dma_wait3A_156] : memref<62500x16xf32, #tpu.memory_space<hbm>> -> memref<62500x16xf32, #tpu.memory_space<hbm>>
    tpu.wait_indirect_dma semaphore(%arg20 : memref<!tpu.dma_semaphore, #tpu.memory_space<semaphore_mem>>) src(%dma_wait3A_157 : memref<62500x16xf32, #tpu.memory_space<hbm>>) dst(%arg15 : memref<1664x16xf32, #tpu.memory_space<vmem>>)
    %scan3A_158 = arith.constant 0 : i32
    %scan3A_159 = arith.constant 0 : i32
    %scan3A_160 = arith.constant 104 : i32
    %scan3A_161 = arith.addi %scan3A_159, %scan3A_160 : i32
    %scan3A_162 = arith.constant 1 : i32
    scf.for %scan3A_206 = %scan3A_159 to %scan3A_161 step %scan3A_162  : i32 {
      %mul3A_207 = arith.constant 16 : i32
      %mul3A_208 = arith.muli %scan3A_206, %mul3A_207 : i32
      %get3A = arith.index_cast %mul3A_208 : i32 to index
      %get3A_209 = tpu.vector_load %arg9[%get3A] {strides = array<i32>} : memref<1664xi32, #tpu.memory_space<vmem>>, vector<16xi32>,
      %and3A = arith.constant 15 : i32
      %and3A_210 = vector.broadcast %and3A : i32 to vector<16xi32>
      %and3A_211 = arith.andi %get3A_209, %and3A_210 : vector<16xi32>
      %add3A_212 = vector.broadcast %mul3A_208 : i32 to vector<16xi32>
      %add3A_213 = arith.addi %iota3A, %add3A_212 : vector<16xi32>
      %gather3A = tpu.vector_load_idx %arg15[%add3A_213, %and3A_211] : memref<1664x16xf32, #tpu.memory_space<vmem>>[vector<16xi32>, vector<16xi32>], vector<16xf32>,
      %swap3A = arith.index_cast %mul3A_208 : i32 to index
      %swap3A_214 = tpu.vector_load %arg16[%swap3A] {strides = array<i32>} : memref<1664xf32, #tpu.memory_space<vmem>>, vector<16xf32>,
      tpu.vector_store %arg16[%swap3A], %gather3A {strides = array<i32>} : memref<1664xf32, #tpu.memory_space<vmem>>, vector<16xf32>,
    }
    %scan3A_163 = arith.constant 104 : i32
    "tpu.region"() ({
      %run_scoped3A = tpu.sem_alloc : memref<!tpu.dma_semaphore, #tpu.memory_space<semaphore_mem>>
      %dma_start3A_206 = arith.constant 0 : i32
      %dma_start3A_207 = tpu.memref_slice %arg6[%add3A_151, %dma_start3A_206] : memref<425984x16xf32, #tpu.memory_space<hbm>> -> memref<1664x16xf32, #tpu.memory_space<hbm>>
      %dma_start3A_208 = arith.constant 0 : i32
      %dma_start3A_209 = tpu.memref_slice %arg6[%add3A_151, %dma_start3A_208] : memref<425984x16xf32, #tpu.memory_space<hbm>> -> memref<1664x16xf32, #tpu.memory_space<hbm>>
      tpu.enqueue_dma source(%arg13 : memref<1664x16xf32, #tpu.memory_space<vmem>>) target(%dma_start3A_209 : memref<1664x16xf32, #tpu.memory_space<hbm>>) target_semaphore(%run_scoped3A : memref<!tpu.dma_semaphore, #tpu.memory_space<semaphore_mem>>)
      %dma_wait3A_210 = arith.constant 0 : i32
      %dma_wait3A_211 = tpu.memref_slice %arg6[%add3A_151, %dma_wait3A_210] : memref<425984x16xf32, #tpu.memory_space<hbm>> -> memref<1664x16xf32, #tpu.memory_space<hbm>>
      %dma_wait3A_212 = arith.constant 0 : i32
      %dma_wait3A_213 = tpu.memref_slice %arg6[%add3A_151, %dma_wait3A_212] : memref<425984x16xf32, #tpu.memory_space<hbm>> -> memref<1664x16xf32, #tpu.memory_space<hbm>>
      tpu.wait_dma2 semaphore(%run_scoped3A : memref<!tpu.dma_semaphore, #tpu.memory_space<semaphore_mem>>) src(%arg13 : memref<1664x16xf32, #tpu.memory_space<vmem>>) dst(%dma_wait3A_213 : memref<1664x16xf32, #tpu.memory_space<hbm>>)
      tpu.yield
    }) : () -> ()
    "tpu.region"() ({
      %run_scoped3A = tpu.sem_alloc : memref<!tpu.dma_semaphore, #tpu.memory_space<semaphore_mem>>
      %dma_start3A_206 = tpu.memref_slice %arg7[%add3A_151] : memref<425984xf32, #tpu.memory_space<hbm>> -> memref<1664xf32, #tpu.memory_space<hbm>>
      %dma_start3A_207 = tpu.memref_slice %arg7[%add3A_151] : memref<425984xf32, #tpu.memory_space<hbm>> -> memref<1664xf32, #tpu.memory_space<hbm>>
      tpu.enqueue_dma source(%arg16 : memref<1664xf32, #tpu.memory_space<vmem>>) target(%dma_start3A_207 : memref<1664xf32, #tpu.memory_space<hbm>>) target_semaphore(%run_scoped3A : memref<!tpu.dma_semaphore, #tpu.memory_space<semaphore_mem>>)
      %dma_wait3A_208 = tpu.memref_slice %arg7[%add3A_151] : memref<425984xf32, #tpu.memory_space<hbm>> -> memref<1664xf32, #tpu.memory_space<hbm>>
      %dma_wait3A_209 = tpu.memref_slice %arg7[%add3A_151] : memref<425984xf32, #tpu.memory_space<hbm>> -> memref<1664xf32, #tpu.memory_space<hbm>>
      tpu.wait_dma2 semaphore(%run_scoped3A : memref<!tpu.dma_semaphore, #tpu.memory_space<semaphore_mem>>) src(%arg16 : memref<1664xf32, #tpu.memory_space<vmem>>) dst(%dma_wait3A_209 : memref<1664xf32, #tpu.memory_space<hbm>>)
      tpu.yield
    }) : () -> ()
    %mul3A_164 = arith.constant 13312 : i32
    %mul3A_165 = arith.muli %add3A, %mul3A_164 : i32
    %add3A_166 = arith.constant 11648 : i32
    %add3A_167 = arith.addi %mul3A_165, %add3A_166 : i32
    "tpu.region"() ({
      %run_scoped3A = tpu.sem_alloc : memref<!tpu.dma_semaphore, #tpu.memory_space<semaphore_mem>>
      %dma_start3A_206 = tpu.memref_slice %arg2[%add3A_167] : memref<425984xi32, #tpu.memory_space<hbm>> -> memref<1664xi32, #tpu.memory_space<hbm>>
      %dma_start3A_207 = tpu.memref_slice %arg2[%add3A_167] : memref<425984xi32, #tpu.memory_space<hbm>> -> memref<1664xi32, #tpu.memory_space<hbm>>
      tpu.enqueue_dma source(%dma_start3A_207 : memref<1664xi32, #tpu.memory_space<hbm>>) target(%arg9 : memref<1664xi32, #tpu.memory_space<vmem>>) target_semaphore(%run_scoped3A : memref<!tpu.dma_semaphore, #tpu.memory_space<semaphore_mem>>)
      %dma_wait3A_208 = tpu.memref_slice %arg2[%add3A_167] : memref<425984xi32, #tpu.memory_space<hbm>> -> memref<1664xi32, #tpu.memory_space<hbm>>
      %dma_wait3A_209 = tpu.memref_slice %arg2[%add3A_167] : memref<425984xi32, #tpu.memory_space<hbm>> -> memref<1664xi32, #tpu.memory_space<hbm>>
      tpu.wait_dma2 semaphore(%run_scoped3A : memref<!tpu.dma_semaphore, #tpu.memory_space<semaphore_mem>>) src(%dma_wait3A_209 : memref<1664xi32, #tpu.memory_space<hbm>>) dst(%arg9 : memref<1664xi32, #tpu.memory_space<vmem>>)
      tpu.yield
    }) : () -> ()
    "tpu.region"() ({
      %run_scoped3A = tpu.sem_alloc : memref<!tpu.dma_semaphore, #tpu.memory_space<semaphore_mem>>
      %dma_start3A_206 = tpu.memref_slice %arg3[%add3A_167] : memref<425984xi32, #tpu.memory_space<hbm>> -> memref<1664xi32, #tpu.memory_space<hbm>>
      %dma_start3A_207 = tpu.memref_slice %arg3[%add3A_167] : memref<425984xi32, #tpu.memory_space<hbm>> -> memref<1664xi32, #tpu.memory_space<hbm>>
      tpu.enqueue_dma source(%dma_start3A_207 : memref<1664xi32, #tpu.memory_space<hbm>>) target(%arg11 : memref<1664xi32, #tpu.memory_space<vmem>>) target_semaphore(%run_scoped3A : memref<!tpu.dma_semaphore, #tpu.memory_space<semaphore_mem>>)
      %dma_wait3A_208 = tpu.memref_slice %arg3[%add3A_167] : memref<425984xi32, #tpu.memory_space<hbm>> -> memref<1664xi32, #tpu.memory_space<hbm>>
      %dma_wait3A_209 = tpu.memref_slice %arg3[%add3A_167] : memref<425984xi32, #tpu.memory_space<hbm>> -> memref<1664xi32, #tpu.memory_space<hbm>>
      tpu.wait_dma2 semaphore(%run_scoped3A : memref<!tpu.dma_semaphore, #tpu.memory_space<semaphore_mem>>) src(%dma_wait3A_209 : memref<1664xi32, #tpu.memory_space<hbm>>) dst(%arg11 : memref<1664xi32, #tpu.memory_space<vmem>>)
      tpu.yield
    }) : () -> ()
    %dma_start3A_168 = arith.constant 0 : i32
    %dma_start3A_169 = arith.constant 0 : i32
    %dma_start3A_170 = tpu.memref_slice %arg4[%dma_start3A_168, %dma_start3A_169] : memref<1000000x16xf32, #tpu.memory_space<hbm>> -> memref<1000000x16xf32, #tpu.memory_space<hbm>>
    tpu.enqueue_indirect_dma source(%dma_start3A_170 : memref<1000000x16xf32, #tpu.memory_space<hbm>>) target(%arg13 : memref<1664x16xf32, #tpu.memory_space<vmem>>) offsets(%arg9 : memref<1664xi32, #tpu.memory_space<vmem>>) semaphore(%arg18 : memref<!tpu.dma_semaphore, #tpu.memory_space<semaphore_mem>>)
    %dma_start3A_171 = arith.constant 0 : i32
    %dma_start3A_172 = arith.constant 0 : i32
    %dma_start3A_173 = tpu.memref_slice %arg5[%dma_start3A_171, %dma_start3A_172] : memref<62500x16xf32, #tpu.memory_space<hbm>> -> memref<62500x16xf32, #tpu.memory_space<hbm>>
    tpu.enqueue_indirect_dma source(%dma_start3A_173 : memref<62500x16xf32, #tpu.memory_space<hbm>>) target(%arg15 : memref<1664x16xf32, #tpu.memory_space<vmem>>) offsets(%arg11 : memref<1664xi32, #tpu.memory_space<vmem>>) semaphore(%arg20 : memref<!tpu.dma_semaphore, #tpu.memory_space<semaphore_mem>>)
    %mul3A_174 = arith.constant 13312 : i32
    %mul3A_175 = arith.muli %add3A, %mul3A_174 : i32
    %add3A_176 = arith.constant 9984 : i32
    %add3A_177 = arith.addi %mul3A_175, %add3A_176 : i32
    %dma_wait3A_178 = arith.constant 0 : i32
    %dma_wait3A_179 = arith.constant 0 : i32
    %dma_wait3A_180 = tpu.memref_slice %arg4[%dma_wait3A_178, %dma_wait3A_179] : memref<1000000x16xf32, #tpu.memory_space<hbm>> -> memref<1000000x16xf32, #tpu.memory_space<hbm>>
    tpu.wait_indirect_dma semaphore(%arg17 : memref<!tpu.dma_semaphore, #tpu.memory_space<semaphore_mem>>) src(%dma_wait3A_180 : memref<1000000x16xf32, #tpu.memory_space<hbm>>) dst(%arg12 : memref<1664x16xf32, #tpu.memory_space<vmem>>)
    %dma_wait3A_181 = arith.constant 0 : i32
    %dma_wait3A_182 = arith.constant 0 : i32
    %dma_wait3A_183 = tpu.memref_slice %arg5[%dma_wait3A_181, %dma_wait3A_182] : memref<62500x16xf32, #tpu.memory_space<hbm>> -> memref<62500x16xf32, #tpu.memory_space<hbm>>
    tpu.wait_indirect_dma semaphore(%arg19 : memref<!tpu.dma_semaphore, #tpu.memory_space<semaphore_mem>>) src(%dma_wait3A_183 : memref<62500x16xf32, #tpu.memory_space<hbm>>) dst(%arg14 : memref<1664x16xf32, #tpu.memory_space<vmem>>)
    %scan3A_184 = arith.constant 0 : i32
    %scan3A_185 = arith.constant 0 : i32
    %scan3A_186 = arith.constant 104 : i32
    %scan3A_187 = arith.addi %scan3A_185, %scan3A_186 : i32
    %scan3A_188 = arith.constant 1 : i32
    scf.for %scan3A_206 = %scan3A_185 to %scan3A_187 step %scan3A_188  : i32 {
      %mul3A_207 = arith.constant 16 : i32
      %mul3A_208 = arith.muli %scan3A_206, %mul3A_207 : i32
      %get3A = arith.index_cast %mul3A_208 : i32 to index
      %get3A_209 = tpu.vector_load %arg8[%get3A] {strides = array<i32>} : memref<1664xi32, #tpu.memory_space<vmem>>, vector<16xi32>,
      %and3A = arith.constant 15 : i32
      %and3A_210 = vector.broadcast %and3A : i32 to vector<16xi32>
      %and3A_211 = arith.andi %get3A_209, %and3A_210 : vector<16xi32>
      %add3A_212 = vector.broadcast %mul3A_208 : i32 to vector<16xi32>
      %add3A_213 = arith.addi %iota3A, %add3A_212 : vector<16xi32>
      %gather3A = tpu.vector_load_idx %arg14[%add3A_213, %and3A_211] : memref<1664x16xf32, #tpu.memory_space<vmem>>[vector<16xi32>, vector<16xi32>], vector<16xf32>,
      %swap3A = arith.index_cast %mul3A_208 : i32 to index
      %swap3A_214 = tpu.vector_load %arg16[%swap3A] {strides = array<i32>} : memref<1664xf32, #tpu.memory_space<vmem>>, vector<16xf32>,
      tpu.vector_store %arg16[%swap3A], %gather3A {strides = array<i32>} : memref<1664xf32, #tpu.memory_space<vmem>>, vector<16xf32>,
    }
    %scan3A_189 = arith.constant 104 : i32
    "tpu.region"() ({
      %run_scoped3A = tpu.sem_alloc : memref<!tpu.dma_semaphore, #tpu.memory_space<semaphore_mem>>
      %dma_start3A_206 = arith.constant 0 : i32
      %dma_start3A_207 = tpu.memref_slice %arg6[%add3A_177, %dma_start3A_206] : memref<425984x16xf32, #tpu.memory_space<hbm>> -> memref<1664x16xf32, #tpu.memory_space<hbm>>
      %dma_start3A_208 = arith.constant 0 : i32
      %dma_start3A_209 = tpu.memref_slice %arg6[%add3A_177, %dma_start3A_208] : memref<425984x16xf32, #tpu.memory_space<hbm>> -> memref<1664x16xf32, #tpu.memory_space<hbm>>
      tpu.enqueue_dma source(%arg12 : memref<1664x16xf32, #tpu.memory_space<vmem>>) target(%dma_start3A_209 : memref<1664x16xf32, #tpu.memory_space<hbm>>) target_semaphore(%run_scoped3A : memref<!tpu.dma_semaphore, #tpu.memory_space<semaphore_mem>>)
      %dma_wait3A_210 = arith.constant 0 : i32
      %dma_wait3A_211 = tpu.memref_slice %arg6[%add3A_177, %dma_wait3A_210] : memref<425984x16xf32, #tpu.memory_space<hbm>> -> memref<1664x16xf32, #tpu.memory_space<hbm>>
      %dma_wait3A_212 = arith.constant 0 : i32
      %dma_wait3A_213 = tpu.memref_slice %arg6[%add3A_177, %dma_wait3A_212] : memref<425984x16xf32, #tpu.memory_space<hbm>> -> memref<1664x16xf32, #tpu.memory_space<hbm>>
      tpu.wait_dma2 semaphore(%run_scoped3A : memref<!tpu.dma_semaphore, #tpu.memory_space<semaphore_mem>>) src(%arg12 : memref<1664x16xf32, #tpu.memory_space<vmem>>) dst(%dma_wait3A_213 : memref<1664x16xf32, #tpu.memory_space<hbm>>)
      tpu.yield
    }) : () -> ()
    "tpu.region"() ({
      %run_scoped3A = tpu.sem_alloc : memref<!tpu.dma_semaphore, #tpu.memory_space<semaphore_mem>>
      %dma_start3A_206 = tpu.memref_slice %arg7[%add3A_177] : memref<425984xf32, #tpu.memory_space<hbm>> -> memref<1664xf32, #tpu.memory_space<hbm>>
      %dma_start3A_207 = tpu.memref_slice %arg7[%add3A_177] : memref<425984xf32, #tpu.memory_space<hbm>> -> memref<1664xf32, #tpu.memory_space<hbm>>
      tpu.enqueue_dma source(%arg16 : memref<1664xf32, #tpu.memory_space<vmem>>) target(%dma_start3A_207 : memref<1664xf32, #tpu.memory_space<hbm>>) target_semaphore(%run_scoped3A : memref<!tpu.dma_semaphore, #tpu.memory_space<semaphore_mem>>)
      %dma_wait3A_208 = tpu.memref_slice %arg7[%add3A_177] : memref<425984xf32, #tpu.memory_space<hbm>> -> memref<1664xf32, #tpu.memory_space<hbm>>
      %dma_wait3A_209 = tpu.memref_slice %arg7[%add3A_177] : memref<425984xf32, #tpu.memory_space<hbm>> -> memref<1664xf32, #tpu.memory_space<hbm>>
      tpu.wait_dma2 semaphore(%run_scoped3A : memref<!tpu.dma_semaphore, #tpu.memory_space<semaphore_mem>>) src(%arg16 : memref<1664xf32, #tpu.memory_space<vmem>>) dst(%dma_wait3A_209 : memref<1664xf32, #tpu.memory_space<hbm>>)
      tpu.yield
    }) : () -> ()
    %mul3A_190 = arith.constant 13312 : i32
    %mul3A_191 = arith.muli %add3A, %mul3A_190 : i32
    %add3A_192 = arith.constant 11648 : i32
    %add3A_193 = arith.addi %mul3A_191, %add3A_192 : i32
    %dma_wait3A_194 = arith.constant 0 : i32
    %dma_wait3A_195 = arith.constant 0 : i32
    %dma_wait3A_196 = tpu.memref_slice %arg4[%dma_wait3A_194, %dma_wait3A_195] : memref<1000000x16xf32, #tpu.memory_space<hbm>> -> memref<1000000x16xf32, #tpu.memory_space<hbm>>
    tpu.wait_indirect_dma semaphore(%arg18 : memref<!tpu.dma_semaphore, #tpu.memory_space<semaphore_mem>>) src(%dma_wait3A_196 : memref<1000000x16xf32, #tpu.memory_space<hbm>>) dst(%arg13 : memref<1664x16xf32, #tpu.memory_space<vmem>>)
    %dma_wait3A_197 = arith.constant 0 : i32
    %dma_wait3A_198 = arith.constant 0 : i32
    %dma_wait3A_199 = tpu.memref_slice %arg5[%dma_wait3A_197, %dma_wait3A_198] : memref<62500x16xf32, #tpu.memory_space<hbm>> -> memref<62500x16xf32, #tpu.memory_space<hbm>>
    tpu.wait_indirect_dma semaphore(%arg20 : memref<!tpu.dma_semaphore, #tpu.memory_space<semaphore_mem>>) src(%dma_wait3A_199 : memref<62500x16xf32, #tpu.memory_space<hbm>>) dst(%arg15 : memref<1664x16xf32, #tpu.memory_space<vmem>>)
    %scan3A_200 = arith.constant 0 : i32
    %scan3A_201 = arith.constant 0 : i32
    %scan3A_202 = arith.constant 104 : i32
    %scan3A_203 = arith.addi %scan3A_201, %scan3A_202 : i32
    %scan3A_204 = arith.constant 1 : i32
    scf.for %scan3A_206 = %scan3A_201 to %scan3A_203 step %scan3A_204  : i32 {
      %mul3A_207 = arith.constant 16 : i32
      %mul3A_208 = arith.muli %scan3A_206, %mul3A_207 : i32
      %get3A = arith.index_cast %mul3A_208 : i32 to index
      %get3A_209 = tpu.vector_load %arg9[%get3A] {strides = array<i32>} : memref<1664xi32, #tpu.memory_space<vmem>>, vector<16xi32>,
      %and3A = arith.constant 15 : i32
      %and3A_210 = vector.broadcast %and3A : i32 to vector<16xi32>
      %and3A_211 = arith.andi %get3A_209, %and3A_210 : vector<16xi32>
      %add3A_212 = vector.broadcast %mul3A_208 : i32 to vector<16xi32>
      %add3A_213 = arith.addi %iota3A, %add3A_212 : vector<16xi32>
      %gather3A = tpu.vector_load_idx %arg15[%add3A_213, %and3A_211] : memref<1664x16xf32, #tpu.memory_space<vmem>>[vector<16xi32>, vector<16xi32>], vector<16xf32>,
      %swap3A = arith.index_cast %mul3A_208 : i32 to index
      %swap3A_214 = tpu.vector_load %arg16[%swap3A] {strides = array<i32>} : memref<1664xf32, #tpu.memory_space<vmem>>, vector<16xf32>,
      tpu.vector_store %arg16[%swap3A], %gather3A {strides = array<i32>} : memref<1664xf32, #tpu.memory_space<vmem>>, vector<16xf32>,
    }
    %scan3A_205 = arith.constant 104 : i32
    "tpu.region"() ({
      %run_scoped3A = tpu.sem_alloc : memref<!tpu.dma_semaphore, #tpu.memory_space<semaphore_mem>>
      %dma_start3A_206 = arith.constant 0 : i32
      %dma_start3A_207 = tpu.memref_slice %arg6[%add3A_193, %dma_start3A_206] : memref<425984x16xf32, #tpu.memory_space<hbm>> -> memref<1664x16xf32, #tpu.memory_space<hbm>>
      %dma_start3A_208 = arith.constant 0 : i32
      %dma_start3A_209 = tpu.memref_slice %arg6[%add3A_193, %dma_start3A_208] : memref<425984x16xf32, #tpu.memory_space<hbm>> -> memref<1664x16xf32, #tpu.memory_space<hbm>>
      tpu.enqueue_dma source(%arg13 : memref<1664x16xf32, #tpu.memory_space<vmem>>) target(%dma_start3A_209 : memref<1664x16xf32, #tpu.memory_space<hbm>>) target_semaphore(%run_scoped3A : memref<!tpu.dma_semaphore, #tpu.memory_space<semaphore_mem>>)
      %dma_wait3A_210 = arith.constant 0 : i32
      %dma_wait3A_211 = tpu.memref_slice %arg6[%add3A_193, %dma_wait3A_210] : memref<425984x16xf32, #tpu.memory_space<hbm>> -> memref<1664x16xf32, #tpu.memory_space<hbm>>
      %dma_wait3A_212 = arith.constant 0 : i32
      %dma_wait3A_213 = tpu.memref_slice %arg6[%add3A_193, %dma_wait3A_212] : memref<425984x16xf32, #tpu.memory_space<hbm>> -> memref<1664x16xf32, #tpu.memory_space<hbm>>
      tpu.wait_dma2 semaphore(%run_scoped3A : memref<!tpu.dma_semaphore, #tpu.memory_space<semaphore_mem>>) src(%arg13 : memref<1664x16xf32, #tpu.memory_space<vmem>>) dst(%dma_wait3A_213 : memref<1664x16xf32, #tpu.memory_space<hbm>>)
      tpu.yield
    }) : () -> ()
    "tpu.region"() ({
      %run_scoped3A = tpu.sem_alloc : memref<!tpu.dma_semaphore, #tpu.memory_space<semaphore_mem>>
      %dma_start3A_206 = tpu.memref_slice %arg7[%add3A_193] : memref<425984xf32, #tpu.memory_space<hbm>> -> memref<1664xf32, #tpu.memory_space<hbm>>
      %dma_start3A_207 = tpu.memref_slice %arg7[%add3A_193] : memref<425984xf32, #tpu.memory_space<hbm>> -> memref<1664xf32, #tpu.memory_space<hbm>>
      tpu.enqueue_dma source(%arg16 : memref<1664xf32, #tpu.memory_space<vmem>>) target(%dma_start3A_207 : memref<1664xf32, #tpu.memory_space<hbm>>) target_semaphore(%run_scoped3A : memref<!tpu.dma_semaphore, #tpu.memory_space<semaphore_mem>>)
      %dma_wait3A_208 = tpu.memref_slice %arg7[%add3A_193] : memref<425984xf32, #tpu.memory_space<hbm>> -> memref<1664xf32, #tpu.memory_space<hbm>>
      %dma_wait3A_209 = tpu.memref_slice %arg7[%add3A_193] : memref<425984xf32, #tpu.memory_space<hbm>> -> memref<1664xf32, #tpu.memory_space<hbm>>
      tpu.wait_dma2 semaphore(%run_scoped3A : memref<!tpu.dma_semaphore, #tpu.memory_space<semaphore_mem>>) src(%arg16 : memref<1664xf32, #tpu.memory_space<vmem>>) dst(%dma_wait3A_209 : memref<1664xf32, #tpu.memory_space<hbm>>)
      tpu.yield
    }) : () -> ()
    return
  }
}

module attributes {stable_mosaic.version = 14 : i64} {
  func.func @_mlp_body(%arg0: i32, %arg1: memref<256x416xf32, #tpu.memory_space<vmem>>, %arg2: memref<256x26xf32, #tpu.memory_space<vmem>>, %arg3: memref<416x128xf32, #tpu.memory_space<vmem>>, %arg4: memref<1x128xf32, #tpu.memory_space<vmem>>, %arg5: memref<128x128xf32, #tpu.memory_space<vmem>>, %arg6: memref<1x128xf32, #tpu.memory_space<vmem>>, %arg7: memref<128x128xf32, #tpu.memory_space<vmem>>, %arg8: memref<1x128xf32, #tpu.memory_space<vmem>>, %arg9: memref<1x128xf32, #tpu.memory_space<vmem>>, %arg10: memref<1x1xf32, #tpu.memory_space<vmem>>, %arg11: memref<256x1xf32, #tpu.memory_space<vmem>>) attributes {dimension_semantics = [#tpu.dimension_semantics<arbitrary>], iteration_bounds = array<i64: 64>, scalar_prefetch = 0 : i64, scratch_operands = 0 : i64, tpu.core_type = #tpu.core_type<tc>, window_params = [{transform_indices = @transform_0, window_bounds = array<i64: 256, 416>}, {transform_indices = @transform_1, window_bounds = array<i64: 256, 26>}, {pipeline_mode = #tpu.pipeline_mode<synchronous>, transform_indices = @transform_2, window_bounds = array<i64: 416, 128>}, {pipeline_mode = #tpu.pipeline_mode<synchronous>, transform_indices = @transform_3, window_bounds = array<i64: 1, 128>}, {pipeline_mode = #tpu.pipeline_mode<synchronous>, transform_indices = @transform_4, window_bounds = array<i64: 128, 128>}, {pipeline_mode = #tpu.pipeline_mode<synchronous>, transform_indices = @transform_5, window_bounds = array<i64: 1, 128>}, {pipeline_mode = #tpu.pipeline_mode<synchronous>, transform_indices = @transform_6, window_bounds = array<i64: 128, 128>}, {pipeline_mode = #tpu.pipeline_mode<synchronous>, transform_indices = @transform_7, window_bounds = array<i64: 1, 128>}, {pipeline_mode = #tpu.pipeline_mode<synchronous>, transform_indices = @transform_8, window_bounds = array<i64: 1, 128>}, {pipeline_mode = #tpu.pipeline_mode<synchronous>, transform_indices = @transform_9, window_bounds = array<i64: 1, 1>}, {transform_indices = @transform_10, window_bounds = array<i64: 256, 1>}]} {
    %get3A = arith.constant 0 : index
    %get3A_0 = arith.constant 0 : index
    %get3A_1 = vector.load %arg1[%get3A, %get3A_0] : memref<256x416xf32, #tpu.memory_space<vmem>>, vector<256x416xf32>
    %get3A_2 = arith.constant 0 : index
    %get3A_3 = arith.constant 0 : index
    %get3A_4 = vector.load %arg3[%get3A_2, %get3A_3] : memref<416x128xf32, #tpu.memory_space<vmem>>, vector<416x128xf32>
    %dot_general3A = arith.constant dense<0.000000e+00> : vector<256x128xf32>
    %dot_general3A_5 = tpu.matmul %get3A_1, %get3A_4, %dot_general3A {dimension_numbers = #tpu.dot_dimension_numbers<[1], [0], [0], [1], [0, 0, 1, 1], [], []>, transpose_lhs_hint = false} : vector<256x416xf32>, vector<416x128xf32>, vector<256x128xf32> -> vector<256x128xf32>
    %get3A_6 = arith.constant 0 : index
    %get3A_7 = arith.constant 0 : index
    %get3A_8 = vector.load %arg4[%get3A_6, %get3A_7] : memref<1x128xf32, #tpu.memory_space<vmem>>, vector<1x128xf32>
    %add3A = vector.broadcast %get3A_8 : vector<1x128xf32> to vector<256x128xf32>
    %add3A_9 = arith.addf %dot_general3A_5, %add3A : vector<256x128xf32>
    %logistic3A = arith.negf %add3A_9 : vector<256x128xf32>
    %logistic3A_10 = math.exp %logistic3A : vector<256x128xf32>
    %logistic3A_11 = arith.constant 1.000000e+00 : f32
    %logistic3A_12 = vector.broadcast %logistic3A_11 : f32 to vector<256x128xf32>
    %logistic3A_13 = arith.addf %logistic3A_12, %logistic3A_10 : vector<256x128xf32>
    %logistic3A_14 = arith.divf %logistic3A_12, %logistic3A_13 : vector<256x128xf32>
    %mul3A = arith.mulf %add3A_9, %logistic3A_14 : vector<256x128xf32>
    %get3A_15 = arith.constant 0 : index
    %get3A_16 = arith.constant 0 : index
    %get3A_17 = vector.load %arg5[%get3A_15, %get3A_16] : memref<128x128xf32, #tpu.memory_space<vmem>>, vector<128x128xf32>
    %dot_general3A_18 = arith.constant dense<0.000000e+00> : vector<256x128xf32>
    %dot_general3A_19 = tpu.matmul %mul3A, %get3A_17, %dot_general3A_18 {dimension_numbers = #tpu.dot_dimension_numbers<[1], [0], [0], [1], [0, 0, 1, 1], [], []>, transpose_lhs_hint = false} : vector<256x128xf32>, vector<128x128xf32>, vector<256x128xf32> -> vector<256x128xf32>
    %get3A_20 = arith.constant 0 : index
    %get3A_21 = arith.constant 0 : index
    %get3A_22 = vector.load %arg6[%get3A_20, %get3A_21] : memref<1x128xf32, #tpu.memory_space<vmem>>, vector<1x128xf32>
    %add3A_23 = vector.broadcast %get3A_22 : vector<1x128xf32> to vector<256x128xf32>
    %add3A_24 = arith.addf %dot_general3A_19, %add3A_23 : vector<256x128xf32>
    %logistic3A_25 = arith.negf %add3A_24 : vector<256x128xf32>
    %logistic3A_26 = math.exp %logistic3A_25 : vector<256x128xf32>
    %logistic3A_27 = arith.constant 1.000000e+00 : f32
    %logistic3A_28 = vector.broadcast %logistic3A_27 : f32 to vector<256x128xf32>
    %logistic3A_29 = arith.addf %logistic3A_28, %logistic3A_26 : vector<256x128xf32>
    %logistic3A_30 = arith.divf %logistic3A_28, %logistic3A_29 : vector<256x128xf32>
    %mul3A_31 = arith.mulf %add3A_24, %logistic3A_30 : vector<256x128xf32>
    %get3A_32 = arith.constant 0 : index
    %get3A_33 = arith.constant 0 : index
    %get3A_34 = vector.load %arg7[%get3A_32, %get3A_33] : memref<128x128xf32, #tpu.memory_space<vmem>>, vector<128x128xf32>
    %dot_general3A_35 = arith.constant dense<0.000000e+00> : vector<256x128xf32>
    %dot_general3A_36 = tpu.matmul %mul3A_31, %get3A_34, %dot_general3A_35 {dimension_numbers = #tpu.dot_dimension_numbers<[1], [0], [0], [1], [0, 0, 1, 1], [], []>, transpose_lhs_hint = false} : vector<256x128xf32>, vector<128x128xf32>, vector<256x128xf32> -> vector<256x128xf32>
    %get3A_37 = arith.constant 0 : index
    %get3A_38 = arith.constant 0 : index
    %get3A_39 = vector.load %arg8[%get3A_37, %get3A_38] : memref<1x128xf32, #tpu.memory_space<vmem>>, vector<1x128xf32>
    %add3A_40 = vector.broadcast %get3A_39 : vector<1x128xf32> to vector<256x128xf32>
    %add3A_41 = arith.addf %dot_general3A_36, %add3A_40 : vector<256x128xf32>
    %logistic3A_42 = arith.negf %add3A_41 : vector<256x128xf32>
    %logistic3A_43 = math.exp %logistic3A_42 : vector<256x128xf32>
    %logistic3A_44 = arith.constant 1.000000e+00 : f32
    %logistic3A_45 = vector.broadcast %logistic3A_44 : f32 to vector<256x128xf32>
    %logistic3A_46 = arith.addf %logistic3A_45, %logistic3A_43 : vector<256x128xf32>
    %logistic3A_47 = arith.divf %logistic3A_45, %logistic3A_46 : vector<256x128xf32>
    %mul3A_48 = arith.mulf %add3A_41, %logistic3A_47 : vector<256x128xf32>
    %get3A_49 = arith.constant 0 : index
    %get3A_50 = arith.constant 0 : index
    %get3A_51 = vector.load %arg9[%get3A_49, %get3A_50] : memref<1x128xf32, #tpu.memory_space<vmem>>, vector<1x128xf32>
    %mul3A_52 = vector.broadcast %get3A_51 : vector<1x128xf32> to vector<256x128xf32>
    %mul3A_53 = arith.mulf %mul3A_48, %mul3A_52 : vector<256x128xf32>
    %reduce_sum3A = arith.constant dense<0.000000e+00> : vector<256xf32>
    %reduce_sum3A_54 = vector.multi_reduction <add>, %mul3A_53, %reduce_sum3A [1] : vector<256x128xf32> to vector<256xf32>
    %broadcast_in_dim3A = vector.shape_cast %reduce_sum3A_54 : vector<256xf32> to vector<256x1xf32>
    %get3A_55 = arith.constant 0 : index
    %get3A_56 = arith.constant 0 : index
    %get3A_57 = vector.load %arg10[%get3A_55, %get3A_56] : memref<1x1xf32, #tpu.memory_space<vmem>>, vector<1x1xf32>
    %get3A_58 = vector.extract %get3A_57[0, 0] : f32 from vector<1x1xf32>
    %add3A_59 = vector.broadcast %get3A_58 : f32 to vector<256x1xf32>
    %add3A_60 = arith.addf %broadcast_in_dim3A, %add3A_59 : vector<256x1xf32>
    %get3A_61 = arith.constant 0 : index
    %get3A_62 = arith.constant 0 : index
    %get3A_63 = vector.load %arg2[%get3A_61, %get3A_62] : memref<256x26xf32, #tpu.memory_space<vmem>>, vector<256x26xf32>
    %reduce_sum3A_64 = arith.constant dense<0.000000e+00> : vector<256xf32>
    %reduce_sum3A_65 = vector.multi_reduction <add>, %get3A_63, %reduce_sum3A_64 [1] : vector<256x26xf32> to vector<256xf32>
    %broadcast_in_dim3A_66 = vector.shape_cast %reduce_sum3A_65 : vector<256xf32> to vector<256x1xf32>
    %add3A_67 = arith.addf %add3A_60, %broadcast_in_dim3A_66 : vector<256x1xf32>
    %logistic3A_68 = arith.negf %add3A_67 : vector<256x1xf32>
    %logistic3A_69 = math.exp %logistic3A_68 : vector<256x1xf32>
    %logistic3A_70 = arith.constant 1.000000e+00 : f32
    %logistic3A_71 = vector.broadcast %logistic3A_70 : f32 to vector<256x1xf32>
    %logistic3A_72 = arith.addf %logistic3A_71, %logistic3A_69 : vector<256x1xf32>
    %logistic3A_73 = arith.divf %logistic3A_71, %logistic3A_72 : vector<256x1xf32>
    %swap3A = arith.constant 0 : index
    %swap3A_74 = arith.constant 0 : index
    %swap3A_75 = vector.load %arg11[%swap3A, %swap3A_74] : memref<256x1xf32, #tpu.memory_space<vmem>>, vector<256x1xf32>
    tpu.vector_store %arg11[%swap3A, %swap3A_74], %logistic3A_73 {strides = array<i32>} : memref<256x1xf32, #tpu.memory_space<vmem>>, vector<256x1xf32>,
    return
  }
  func.func @transform_0(%arg0: i32) -> (i32, i32) {
    %c0_i32 = arith.constant 0 : i32
    %c0_i32_0 = arith.constant 0 : i32
    return %arg0, %c0_i32 : i32, i32
  }
  func.func @transform_1(%arg0: i32) -> (i32, i32) {
    %c0_i32 = arith.constant 0 : i32
    %c0_i32_0 = arith.constant 0 : i32
    return %arg0, %c0_i32 : i32, i32
  }
  func.func @transform_2(%arg0: i32) -> (i32, i32) {
    %c0_i32 = arith.constant 0 : i32
    %c0_i32_0 = arith.constant 0 : i32
    %c0_i32_1 = arith.constant 0 : i32
    return %c0_i32, %c0_i32_0 : i32, i32
  }
  func.func @transform_3(%arg0: i32) -> (i32, i32) {
    %c0_i32 = arith.constant 0 : i32
    %c0_i32_0 = arith.constant 0 : i32
    %c0_i32_1 = arith.constant 0 : i32
    return %c0_i32, %c0_i32_0 : i32, i32
  }
  func.func @transform_4(%arg0: i32) -> (i32, i32) {
    %c0_i32 = arith.constant 0 : i32
    %c0_i32_0 = arith.constant 0 : i32
    %c0_i32_1 = arith.constant 0 : i32
    return %c0_i32, %c0_i32_0 : i32, i32
  }
  func.func @transform_5(%arg0: i32) -> (i32, i32) {
    %c0_i32 = arith.constant 0 : i32
    %c0_i32_0 = arith.constant 0 : i32
    %c0_i32_1 = arith.constant 0 : i32
    return %c0_i32, %c0_i32_0 : i32, i32
  }
  func.func @transform_6(%arg0: i32) -> (i32, i32) {
    %c0_i32 = arith.constant 0 : i32
    %c0_i32_0 = arith.constant 0 : i32
    %c0_i32_1 = arith.constant 0 : i32
    return %c0_i32, %c0_i32_0 : i32, i32
  }
  func.func @transform_7(%arg0: i32) -> (i32, i32) {
    %c0_i32 = arith.constant 0 : i32
    %c0_i32_0 = arith.constant 0 : i32
    %c0_i32_1 = arith.constant 0 : i32
    return %c0_i32, %c0_i32_0 : i32, i32
  }
  func.func @transform_8(%arg0: i32) -> (i32, i32) {
    %c0_i32 = arith.constant 0 : i32
    %c0_i32_0 = arith.constant 0 : i32
    %c0_i32_1 = arith.constant 0 : i32
    return %c0_i32, %c0_i32_0 : i32, i32
  }
  func.func @transform_9(%arg0: i32) -> (i32, i32) {
    %c0_i32 = arith.constant 0 : i32
    %c0_i32_0 = arith.constant 0 : i32
    %c0_i32_1 = arith.constant 0 : i32
    return %c0_i32, %c0_i32_0 : i32, i32
  }
  func.func @transform_10(%arg0: i32) -> (i32, i32) {
    %c0_i32 = arith.constant 0 : i32
    %c0_i32_0 = arith.constant 0 : i32
    return %arg0, %c0_i32 : i32, i32
  }
}

</mosaic_0001>

<sc_bundles>
// kernel: kernel.4.cloned.1.call-start
scs
__scs_entry_jumppad:
0x0: {  	(pc) =	sbr.rel $0x88, $3  }
0x1: {  	(tag) =	ssettag $0x0;
	lr =	simm.s32 $0x1  }
0x2: {  	[smem:$0x3F96] =	sst lr;
	_ =	strace $0xD0000000  }
0x3: {  	_ = 	snop  }
0x4: {  	_ = 	snop  }
0x5: {  	_ = 	snop  }
0x6: {  	_ = 	snop  }
0x7: {  	_ = 	snop  }
__scs_overlays_trampoline_lowered:
0x8: {  	[smem:$0x3FA5] =	sst s0  }
0x9: {  	[smem:$0x3FA6] =	sst s1  }
0xa: {  	[smem:$0x3FA7] =	sst s2  }
0xb: {  	[smem:$0x3FA8] =	sst s3  }
0xc: {  	[smem:$0x3FA9] =	sst s4  }
0xd: {  	[smem:$0x3FAA] =	sst s5  }
0xe: {  	[smem:$0x3FAB] =	sst s6  }
0xf: {  	[smem:$0x3FAC] =	sst s7  }
0x10: {  	[smem:$0x3FAD] =	sst s8  }
0x11: {  	[smem:$0x3FAE] =	sst s9;
	s0 =	simm.s32 @!p0 $0x0  }
0x12: {  	s1 =	sld [smem:$0x3F94];
	s0 =	simm.s32 @p0 $0x1  }
0x13: {  	[smem:$0x3FAF] =	sst s0;
	s0 =	simm.s32 @!p1 $0x0  }
0x14: {  	s2 =	sld [smem:$0x3F93];
	s0 =	simm.s32 @p1 $0x1  }
0x15: {  	[smem:$0x3FB0] =	sst s0;
	s0 =	simm.s32 @!p2 $0x0  }
0x16: {  	s3 =	sld [smem:$0x3FDB];
	s0 =	simm.s32 @p2 $0x1  }
0x17: {  	s4 =	simm.s32 $0x1BF5;
	[smem:$0x3FB2] =	sst s0  }
0x18: {  	s0 =	sld [smem:$0x3F95];
	_ =	swait.ge [sflag:s4], $0x0  }
0x19: {  	s7 =	sld [smem:$0x3F96]  }
0x1a: {  	s8 =	sadd.s32 $0xFFFFE003, lr  }
0x1b: {  	s9 =	sadd.s32 $0xFFFFFEF7, lr;
	s5 =	simm.s32 $0xFFFFFFFF;
	p2 =	slt.u32 s8, $0xFFFFF086  }
0x1c: {  	p1 =	slt.u32 s9, $0xF7A;
	s5 =	simm.s32 @!p2 $0x0  }
0x1d: {  	s5 =	simm.s32 @p1 $0x1;
	p0 =	seq.s32 s7, s2  }
0x1e: {  	s7 =	smul.u32 @!p0 $0xF7A, s2;
	p2 =	seq.s32 @!p0 s5, $0x0  }
0x1f: {  	s9 =	smul.u32 $0xF7A, s1;
	s8 =	simm.s32 @!p0 $0x1BF5;
	p2 =	por !p2, p0  }
0x20: {  	[sflag:s8] =	ssyncset.s32 @!p0 $0xFFFFF086;
	s6 =	sadd.s32 @!p0 s3, s7;
	s7 =	simm.s32 @!p0 $0x108  }
0x21: {  	s3 =	sadd.s32 s3, s9;
	s6 =	sadd.s32 @!p0 $0x88, s6;
	s7 =	simm.s32 @p2 $0x1082  }
0x22: {  	[simem:s7], [sflag:s8] =	dma.local @!p0 [hbm:s6], $0xF7A  }
0x23: {  	s9 =	sor.u32 $0xD0000000, s2;
	s6 =	simm.s32 $0x108;
	_ =	swait.ge @!p0 [sflag:s8], $0x0  }
0x24: {  	s3 =	sadd.s32 $0x88, s3;
	s6 =	simm.s32 @!p1 $0x1082;
	[sflag:s4] =	ssyncset.s32 $0xFFFFF086  }
0x25: {  	[simem:s6], [sflag:s4] =	dma.local [hbm:s3], $0xF7A  }
0x26: {  	[smem:$0x3F96] =	sst s1;
	(tag) =	ssettag s2;
	_ =	strace s9  }
0x27: {  	s1 =	sld [smem:$0x3FA6]  }
0x28: {  	s2 =	sld [smem:$0x3FA7]  }
0x29: {  	s4 =	sld [smem:$0x3FA9]  }
0x2a: {  	p0 =	seq.s32 s5, $0x0;
	s5 =	sld [smem:$0x3FAA]  }
0x2b: {  	s6 =	sld [smem:$0x3FAB]  }
0x2c: {  	s7 =	sld [smem:$0x3FAC]  }
0x2d: {  	s3 =	simm.s32 $0x108;
	s8 =	sld [smem:$0x3FAD]  }
0x2e: {  	s3 =	simm.s32 @!p0 $0x1082;
	s9 =	sld [smem:$0x3FAE]  }
0x2f: {  	lr =	sadd.s32 s0, s3;
	s0 =	sld [smem:$0x3FA5]  }
0x30: {  	s3 =	sld [smem:$0x3FA8]  }
0x31: {  	[smem:$0x3FB1] =	sst s10  }
0x32: {  	s10 =	sld [smem:$0x3FAF];
	_ =	sdelay $0x3  }
0x33: {  	p0 =	seq.s32 s10, $0x1;
	s10 =	sld [smem:$0x3FB1];
	_ =	sdelay $0x3  }
0x34: {  	[smem:$0x3FB1] =	sst s10  }
0x35: {  	s10 =	sld [smem:$0x3FB0];
	_ =	sdelay $0x3  }
0x36: {  	p1 =	seq.s32 s10, $0x1;
	s10 =	sld [smem:$0x3FB1];
	_ =	sdelay $0x3  }
0x37: {  	[smem:$0x3FB1] =	sst s10  }
0x38: {  	s10 =	sld [smem:$0x3FB2]  }
0x39: {  	_ = 	snop;
	(pc) =	sbr.ind lr, $3  }
0x3a: {  	_ = 	snop  }
0x3b: {  	_ = 	snop  }
0x3c: {  	p2 =	seq.s32 s10, $0x1;
	s10 =	sld [smem:$0x3FB1]  }
0x3d: {  	_ =	shalt  }
0x3e: {  	_ =	shalt  }
0x3f: {  	_ =	shalt  }
0x40: {  	_ =	shalt  }
0x41: {  	_ =	shalt  }
0x42: {  	_ =	shalt  }
0x43: {  	_ =	shalt  }
0x44: {  	_ =	shalt  }
0x45: {  	_ =	shalt  }
0x46: {  	_ =	shalt  }
0x47: {  	_ =	shalt  }
0x48: {  	_ =	shalt  }
0x49: {  	_ =	shalt  }
0x4a: {  	_ =	shalt  }
0x4b: {  	_ =	shalt  }
0x4c: {  	_ =	shalt  }
0x4d: {  	_ =	shalt  }
0x4e: {  	_ =	shalt  }
0x4f: {  	_ =	shalt  }
0x50: {  	_ =	shalt  }
0x51: {  	_ =	shalt  }
0x52: {  	_ =	shalt  }
0x53: {  	_ =	shalt  }
0x54: {  	_ =	shalt  }
0x55: {  	_ =	shalt  }
0x56: {  	_ =	shalt  }
0x57: {  	_ =	shalt  }
0x58: {  	_ =	shalt  }
0x59: {  	_ =	shalt  }
0x5a: {  	_ =	shalt  }
0x5b: {  	_ =	shalt  }
0x5c: {  	_ =	shalt  }
0x5d: {  	_ =	shalt  }
0x5e: {  	_ =	shalt  }
0x5f: {  	_ =	shalt  }
0x60: {  	_ =	shalt  }
0x61: {  	_ =	shalt  }
0x62: {  	_ =	shalt  }
0x63: {  	_ =	shalt  }
0x64: {  	_ =	shalt  }
0x65: {  	_ =	shalt  }
0x66: {  	_ =	shalt  }
0x67: {  	_ =	shalt  }
0x68: {  	_ =	shalt  }
0x69: {  	_ =	shalt  }
0x6a: {  	_ =	shalt  }
0x6b: {  	_ =	shalt  }
0x6c: {  	_ =	shalt  }
0x6d: {  	_ =	shalt  }
0x6e: {  	_ =	shalt  }
0x6f: {  	_ =	shalt  }
0x70: {  	_ =	shalt  }
0x71: {  	_ =	shalt  }
0x72: {  	_ =	shalt  }
0x73: {  	_ =	shalt  }
0x74: {  	_ =	shalt  }
0x75: {  	_ =	shalt  }
0x76: {  	_ =	shalt  }
0x77: {  	_ =	shalt  }
0x78: {  	_ =	shalt  }
0x79: {  	_ =	shalt  }
0x7a: {  	_ =	shalt  }
0x7b: {  	_ =	shalt  }
0x7c: {  	_ =	shalt  }
0x7d: {  	_ =	shalt  }
0x7e: {  	_ =	shalt  }
0x7f: {  	_ =	shalt  }
0x80: {  	_ =	shalt  }
0x81: {  	_ =	shalt  }
0x82: {  	_ =	shalt  }
0x83: {  	_ =	shalt  }
0x84: {  	_ =	shalt  }
0x85: {  	_ =	shalt  }
0x86: {  	_ =	shalt  }
0x87: {  	_ =	shalt  }
.Lfunc_end0:
.L_simem_size_0:
called_computation_lowered:
.L_overlay_start_0:
0x88: {  	s2 =	sld [smem:$0x3FD9]  }
0x89: {  	s3 =	sld [smem:$0x3FFE];
	_ =	sdelay $0x1  }
0x8a: {  	s1 =	srdreg.scid  }
0x8b: {  	s0 =	sand.u32 $0x1, s1  }
0x8c: {  	s16 =	sshll.u32 s0, $0xA;
	s2 =	sadd.s32 s3, s2  }
0x8d: {  	s2 =	sadd.s32 s2, s16  }
0x8e: {  	[smem:$0x3FBD] =	sst s2  }
0x8f: {  	_ = 	snop  }
0x90: {  	(tm) =	ssettm $0x1  }
0x91: {  	s17 =	sld [smem:$0x3FFB];
	_ =	sdelay $0x3  }
0x92: {  	_ =	strace s17  }
0x93: {  	s2 =	sld [smem:$0x3FFC];
	_ =	sdelay $0x3  }
0x94: {  	_ =	strace s2  }
0x95: {  	s2 =	sld [smem:$0x3FFD];
	_ =	sdelay $0x3  }
0x96: {  	_ =	strace s2  }
0x97: {  	_ =	strace $0x8FFFFFFF  }
0x98: {  	s18 =	sld [smem:$0x3FDB];
	_ =	sdelay $0x1  }
0x99: {  	s19 =	simm.s32 $_scs_section_size  }
0x9a: {  	s4 =	simm.s32 $_size__tile_overlayer_lowered;
	s5 =	simm.s32 $_tile_overlayer_lowered  }
0x9b: {  	s22 =	simm.s32 $0x1BFF;
	s21 =	sshll.u32 s5, $0x1;
	s2 =	sadd.s32 s19, s18  }
0x9c: {  	s6 =	simm.s32 $0x0;
	s20 =	sshll.u32 s4, $0x1;
	s4 =	sadd.s32 s21, s2  }
0x9d: {  	[timem:s6], [sflag:s22] =	dma.local [hbm:s4], s20  }
0x9e: {  	_ =	swait.ge [sflag:s22], s20  }
0x9f: {  	s3 =	ssub.s32 $0x0, s20;
	[sflag:s22] =	ssyncset.done $0x0  }
0xa0: {  	[sflag:s22] =	ssyncadd.s32 s3;
	_ =	sdelay $0x1  }
0xa1: {  	s23 =	simm.s32 $0x1B8B  }
0xa2: {  	_ =	swait.ge [sflag:s23], $0x1  }
0xa3: {  	[sflag:s23] =	ssyncset.done $0x0  }
0xa4: {  	s25 =	simm.s32 $0x1B8E;
	s24 =	sld [smem:$0x3FFE];
	[sflag:s23] =	ssyncadd.s32 $0xFFFFFFFF  }
0xa5: {  	s26 =	simm.s32 $execute0_lowered;
	[smem:$0x3FD2] =	sst s25  }
0xa6: {  	s4 =	sshll.u32 s26, $0x1;
	_ =	strace $0x80000046;
	[dreg:$0x1] =	wrdreg $0xFFFFFFFF  }
0xa7: {  	s28 =	simm.s32 $_size_execute0_lowered;
	s2 =	sadd.s32 s2, s4;
	[dreg:$0x0] =	wrdreg $0x0  }
0xa8: {  	s4 =	sshll.u32 s28, $0x1;
	[dreg:$0x2] =	wrdreg s2  }
0xa9: {  	[dreg:$0x3] =	wrdreg s4  }
0xaa: {  	[dreg:$0x4] =	wrdreg $0xC0  }
0xab: {  	_ =	task [dreg:s6], $0x5FFFF  }
0xac: {  	[dreg:$0x1] =	wrdreg $0xFFFFFFFF  }
0xad: {  	[dreg:$0x0] =	wrdreg $0x60  }
0xae: {  	[dreg:$0x2] =	wrdreg s24  }
0xaf: {  	[dreg:$0x3] =	wrdreg $0x9  }
0xb0: {  	_ =	task.clear_ibuf [dreg:s6], $0x4FFFF;
	_ =	strace $0x90000046  }
0xb1: {  	s29 =	simm.s32 $0x9;
	_ =	strace $0x80000048  }
0xb2: {  	_ =	swait.ge [sflag:s29], $0x1  }
0xb3: {  	[sflag:s29] =	ssyncadd.s32 $0xFFFFFFFF  }
0xb4: {  	_ =	strace $0x90000048  }
0xb5: {  	_ =	sfence  }
0xb6: {  	s30 =	sld [smem:$0x0];
	_ =	sdelay $0x2  }
0xb7: {  	s31 =	sshll.u32 s1, $0xD;
	s1 =	sshrl.u32 s1, $0x2  }
0xb8: {  	s3 =	sand.u32 $0x4000, s31;
	s1 =	sadd.s32 s1, s30  }
0xb9: {  	s0 =	sor.u32 s3, s0;
	s1 =	sshll.u32 s1, $0x11  }
0xba: {  	s0 =	sor.u32 s1, s0  }
0xbb: {  	s0 =	sadd.s32 $0x8F2B, s0  }
0xbc: {  	[sflag:s0] =	ssyncadd.remote.s32 $0x1  }
0xbd: {  	_ =	sfence.sel $0xFFFF  }
0xbe: {  	[dreg:$0x0] =	wrdreg $0xFFFFFFFF;
	(pc) =	sbr.abs _section_cstart, $3  }
0xbf: {  	[dreg:$0x1] =	wrdreg $0xFFFFFFFF  }
0xc0: {  	_ =	task.clear_ibuf [dreg:s6], $0x2FFFF;
	_ =	strace $0x9FFFFFFF  }
0xc1: {  	(tm) =	ssettm $0x7FFFFFFF  }
tec
execute0_lowered:
.L_overlay_start_1:
0x0: {  	(tag) =	ssettag $0x1  }
0x1: {  	s5 =	rddreg [dreg:$0x0]  }
0x2: {  	s0 =	srdreg.scid;
	s2 =	stileid.u32;
	s1 =	simm.s32 $0x0  }
0x3: {  	s0 =	sand.u32 $0x1, s0;
	s2 =	sshll.u32 s2, $0x1;
	[smem:$0x7FF] =	sst s1  }
0x4: {  	s3 =	sadd.s32 $0x1C00, s5;
	s4 =	sadd.s32 $0xEC00, s5;
	s2 =	sor.u32 s0, s2  }
0x5: {  	s7 =	sadd.s32 $0x3A600, s5;
	s0 =	ssub.s32 $0x2, s0;
	s6 =	smul.u32 $0x3400, s2  }
0x6: {  	s8 =	sadd.s32 $0x10A600, s5;
	s9 =	sshrl.u32 s0, $0x1;
	s2 =	smul.u32 $0x6800, s2  }
0x7: {  	s9 =	ssub.s32 s0, s9;
	s26 =	sshrl.u32 s6, $0x3;
	s16 =	sadd.s32 $0x680, s6  }
0x8: {  	s2 =	sadd.s32 s7, s2;
	s18 =	sadd.s32 $0xD00, s6;
	s19 =	sadd.s32 $0x1380, s6  }
0x9: {  	s13 =	sadd.s32 $0x1A00, s6;
	s22 =	sadd.s32 $0x2080, s6;
	s10 =	sadd.s32 s3, s26  }
0xa: {  	s15 =	sadd.s32 s4, s26;
	s11 =	sshrl.u32 s16, $0x3;
	[dreg:$0x4] =	wrdreg s2  }
0xb: {  	s17 =	sshll.u32 s16, $0x1;
	s12 =	sshll.u32 s18, $0x1;
	[dreg:$0x2] =	wrdreg s10  }
0xc: {  	s14 =	sshll.u32 s19, $0x1;
	s0 =	sadd.s32 s8, s26;
	[dreg:$0x3] =	wrdreg s15  }
0xd: {  	s21 =	sshll.u32 s13, $0x1;
	s2 =	sadd.s32 s7, s17;
	[dreg:$0xd] =	wrdreg s0  }
0xe: {  	s26 =	sshrl.u32 s18, $0x3;
	s12 =	sadd.s32 s7, s12;
	[dreg:$0x5] =	wrdreg s2  }
0xf: {  	s18 =	sshrl.u32 s13, $0x3;
	s20 =	sadd.s32 s7, s14;
	[dreg:$0x6] =	wrdreg s12  }
0x10: {  	s13 =	simm.s32 $0x8200;
	s25 =	sadd.s32 s3, s11;
	[dreg:$0x7] =	wrdreg s20  }
0x11: {  	s15 =	sshll.u32 s22, $0x1;
	s10 =	sadd.s32 s4, s11;
	[dreg:$0xc] =	wrdreg s25  }
0x12: {  	s17 =	sadd.s32 s4, s26;
	s0 =	sadd.s32 s8, s26;
	[dreg:$0xe] =	wrdreg s10  }
0x13: {  	s14 =	simm.s32 $0x15200;
	s12 =	sadd.s32 s7, s21;
	[dreg:$0x11] =	wrdreg s17  }
0x14: {  	s15 =	sadd.s32 s7, s15;
	s2 =	sshrl.u32 s19, $0x3;
	[dreg:$0x12] =	wrdreg s0  }
0x15: {  	s21 =	sshrl.u32 s22, $0x3;
	s22 =	sadd.s32 s3, s18;
	[dreg:$0x8] =	wrdreg s12  }
0x16: {  	s0 =	sadd.s32 s8, s18;
	s10 =	simm.s32 $0x1A00;
	[dreg:$0x9] =	wrdreg s15  }
0x17: {  	s17 =	simm.s32 $0x2;
	s12 =	sadd.s32 $0x2700, s6;
	[dreg:$0x16] =	wrdreg s22  }
0x18: {  	s6 =	sadd.s32 $0x2D80, s6;
	s15 =	sadd.s32 s8, s11;
	[dreg:$0x18] =	wrdreg s0  }
0x19: {  	s19 =	sadd.s32 s3, s2;
	s20 =	sadd.s32 s4, s2;
	[dreg:$0xf] =	wrdreg s15  }
0x1a: {  	s2 =	sadd.s32 s8, s2;
	s25 =	sadd.s32 s3, s21;
	[dreg:$0x13] =	wrdreg s19  }
0x1b: {  	s28 =	sadd.s32 s8, s21;
	s11 =	simm.s32 $0xEA00;
	[dreg:$0x14] =	wrdreg s20  }
0x1c: {  	s16 =	sshll.u32 s12, $0x1;
	s24 =	sshll.u32 s6, $0x1;
	[dreg:$0x15] =	wrdreg s2  }
0x1d: {  	s6 =	sshrl.u32 s6, $0x3;
	s15 =	simm.s32 $0x1;
	s19 =	simm.s32 $0x1BA00  }
0x1e: {  	s20 =	simm.s32 $0x0;
	s23 =	sadd.s32 s7, s16;
	s7 =	sadd.s32 s7, s24  }
0x1f: {  	s16 =	sadd.s32 s3, s26;
	s24 =	sshrl.u32 s12, $0x3;
	[dreg:$0xa] =	wrdreg s23  }
0x20: {  	s26 =	sadd.s32 s4, s21;
	s31 =	sadd.s32 s3, s6;
	[dreg:$0xb] =	wrdreg s7  }
0x21: {  	s0 =	sadd.s32 s4, s6;
	s12 =	simm.s32 $0x1380;
	[dreg:$0x10] =	wrdreg s16  }
0x22: {  	s23 =	sadd.s32 s4, s18;
	s30 =	sadd.s32 s3, s24;
	s29 =	sadd.s32 s4, s24  }
0x23: {  	s2 =	sadd.s32 s8, s24;
	s3 =	sadd.s32 s8, s6;
	s4 =	sadd.s32 $0xF5E000, s5  }
0x24: {  	s5 =	sadd.s32 $0x1BC00, s5;
	s6 =	smax.u32 s9, $0x1;
	s7 =	simm.s32 $0x5  }
0x25: {  	v0 =	vlaneseq.u32;
	s8 =	simm.s32 $0xD00;
	s9 =	simm.s32 $0x680;
	[dreg:$0x17] =	wrdreg s23  }
0x26: {  	v0 =	vmul.u32 $0x10, v0;
	s16 =	simm.s32 $0x3;
	s18 =	simm.s32 $0x4;
	_ =	strace $0x80000047  }
.LBB2_1:
0x27: {  	s21 =	rddreg [dreg:$0x2]  }
0x28: {  	[tilespmem:s1], [sflag:$0x5] =	stream.linear.gather [hbm4b:s21+s1], $0x680, $0x38;
	[tilespmem:$0x1C080] =	vst v63  }
0x29: {  	_ =	swait.ge [sflag:s7], $0x680  }
0x2a: {  	[sflag:s7] =	ssyncset.done $0x0  }
0x2b: {  	s22 =	rddreg [dreg:$0x3];
	[sflag:s7] =	ssyncadd.s32 $0xFFFFF980  }
0x2c: {  	[tilespmem:s8], [sflag:$0x5] =	stream.linear.gather [hbm4b:s22+s1], $0x680, $0x38;
	[tilespmem:$0x1C080] =	vst v63  }
0x2d: {  	_ =	swait.ge [sflag:s7], $0x680  }
0x2e: {  	[sflag:s7] =	ssyncset.done $0x0  }
0x2f: {  	[sflag:s7] =	ssyncadd.s32 $0xFFFFF980  }
0x30: {  	[tilespmem:s10], [sflag:$0x1] =	stream.indirect.gather [hbm4b:s4+s9], $0x10, s1, s9, $0xb8;
	[tilespmem:$0x1C080] =	vst v63  }
0x31: {  	_ = 	snop  }
0x32: {  	[tilespmem:s11], [sflag:$0x3] =	stream.indirect.gather [hbm4b:s5+s9], $0x10, s8, s9, $0xb8;
	[tilespmem:$0x1C080] =	vst v63  }
0x33: {  	s23 =	rddreg [dreg:$0xc]  }
0x34: {  	[tilespmem:s9], [sflag:$0x5] =	stream.linear.gather [hbm4b:s23+s1], $0x680, $0x38;
	[tilespmem:$0x1C080] =	vst v63  }
0x35: {  	_ =	swait.ge [sflag:s7], $0x680  }
0x36: {  	[sflag:s7] =	ssyncset.done $0x0  }
0x37: {  	s24 =	rddreg [dreg:$0xe];
	[sflag:s7] =	ssyncadd.s32 $0xFFFFF980  }
0x38: {  	[tilespmem:s12], [sflag:$0x5] =	stream.linear.gather [hbm4b:s24+s1], $0x680, $0x38;
	[tilespmem:$0x1C080] =	vst v63  }
0x39: {  	_ =	swait.ge [sflag:s7], $0x680  }
0x3a: {  	[sflag:s7] =	ssyncset.done $0x0  }
0x3b: {  	[sflag:s7] =	ssyncadd.s32 $0xFFFFF980  }
0x3c: {  	[tilespmem:s13], [sflag:$0x2] =	stream.indirect.gather [hbm4b:s4+s9], $0x10, s9, s9, $0xb8;
	[tilespmem:$0x1C080] =	vst v63  }
0x3d: {  	_ = 	snop  }
0x3e: {  	[tilespmem:s14], [sflag:$0x4] =	stream.indirect.gather [hbm4b:s5+s9], $0x10, s12, s9, $0xb8;
	[tilespmem:$0x1C080] =	vst v63  }
0x3f: {  	_ =	swait.ge [sflag:s15], $0x6800  }
0x40: {  	[sflag:s15] =	ssyncset.done $0x0  }
0x41: {  	[sflag:s15] =	ssyncadd.s32 $0xFFFF9800  }
0x42: {  	_ =	swait.ge [sflag:s16], $0x6800  }
0x43: {  	[sflag:s16] =	ssyncset.done $0x0  }
0x44: {  	[sflag:s16] =	ssyncadd.s32 $0xFFFF9800  }
0x45: {  	v1 =	vld [tilespmem:s1+$0x0];
	_ =	sdelay $0x2  }
0x46: {  	v2 =	vmov s1  }
0x47: {  	v2 =	vshll.u32 v2, $0x4  }
0x48: {  	v2 =	vor.u32 v0, v2;
	v1 =	vand.u32 $0xF, v1  }
0x49: {  	v1 =	vor.u32 v2, v1;
	_ =	sdelay $0x4  }
0x4a: {  	v1 =	vld.idx.msk [tilespmem:v1+s11+$0x0], $0xffff;
	_ =	sdelay $0x4  }
0x4b: {  	s22 =	simm.s32 $0x10;
	[tilespmem:s19+$0x0] =	vst v1  }
0x4c: {  	s21 =	simm.s32 $0x1BA00;
	s23 =	simm.s32 $0x20;
	s24 =	simm.s32 $0x10;
	v1 =	vld [tilespmem:s22+$0x0]  }
.LBB2_2:
0x4d: {  	p0 =	sne.s32 s23, $0x670;
	_ =	sdelay $0x1  }
0x4e: {  	v2 =	vmov s22;
	s22 =	smov.u32 s23  }
0x4f: {  	v2 =	vshll.u32 v2, $0x4  }
0x50: {  	v2 =	vor.u32 v0, v2;
	v1 =	vand.u32 $0xF, v1  }
0x51: {  	v1 =	vor.u32 v2, v1;
	_ =	sdelay $0x4  }
0x52: {  	v1 =	vld.idx.msk [tilespmem:v1+s11+$0x0], $0xffff;
	_ =	sdelay $0x2  }
.Ltmp0:
0x53: {  	(pc) =	sbr.rel @p0 .LBB2_2-.Ltmp0, $4  }
0x54: {  	_ = 	snop  }
0x55: {  	s21 =	sadd.s32 $0x10, s21  }
0x56: {  	s24 =	sadd.s32 $0x10, s24;
	[tilespmem:s21+$0x0] =	vst v1  }
0x57: {  	s23 =	sadd.s32 $0x10, s23;
	v1 =	vld [tilespmem:s24+$0x0]  }
0x58: {  	_ =	sdelay $0x1  }
0x59: {  	v2 =	vmov s22  }
0x5a: {  	v2 =	vshll.u32 v2, $0x4  }
0x5b: {  	v2 =	vor.u32 v0, v2;
	v1 =	vand.u32 $0xF, v1  }
0x5c: {  	v1 =	vor.u32 v2, v1;
	_ =	sdelay $0x4  }
0x5d: {  	v1 =	vld.idx.msk [tilespmem:v1+s11+$0x0], $0xffff;
	_ =	sdelay $0x3  }
0x5e: {  	s21 =	sadd.s32 $0x10, s21  }
0x5f: {  	s22 =	simm.s32 $0x0;
	s23 =	rddreg [dreg:$0x4];
	[tilespmem:s21+$0x0] =	vst v1  }
0x60: {  	[hbm4b:s23+s22] =	stream.linear.scatter [tilespmem:s10], [sflag:$0x5], $0x6800, $0x38;
	[tilespmem:$0x1C080] =	vst v63  }
0x61: {  	_ =	swait.ge [sflag:s7], $0x6800  }
0x62: {  	[sflag:s7] =	ssyncset.done $0x0  }
0x63: {  	s21 =	simm.s32 $0x1BA00;
	s23 =	rddreg [dreg:$0xd];
	[sflag:s7] =	ssyncadd.s32 $0xFFFF9800  }
0x64: {  	[hbm4b:s23+s22] =	stream.linear.scatter [tilespmem:s21], [sflag:$0x5], $0x680, $0x38;
	[tilespmem:$0x1C080] =	vst v63  }
0x65: {  	_ =	swait.ge [sflag:s7], $0x680  }
0x66: {  	[sflag:s7] =	ssyncset.done $0x0  }
0x67: {  	s24 =	rddreg [dreg:$0x10];
	[sflag:s7] =	ssyncadd.s32 $0xFFFFF980  }
0x68: {  	[tilespmem:s22], [sflag:$0x5] =	stream.linear.gather [hbm4b:s24+s22], $0x680, $0x38;
	[tilespmem:$0x1C080] =	vst v63  }
0x69: {  	_ =	swait.ge [sflag:s7], $0x680  }
0x6a: {  	[sflag:s7] =	ssyncset.done $0x0  }
0x6b: {  	s24 =	rddreg [dreg:$0x11];
	[sflag:s7] =	ssyncadd.s32 $0xFFFFF980  }
0x6c: {  	[tilespmem:s8], [sflag:$0x5] =	stream.linear.gather [hbm4b:s24+s22], $0x680, $0x38;
	[tilespmem:$0x1C080] =	vst v63  }
0x6d: {  	_ =	swait.ge [sflag:s7], $0x680  }
0x6e: {  	[sflag:s7] =	ssyncset.done $0x0  }
0x6f: {  	s24 =	simm.s32 $0x680;
	[sflag:s7] =	ssyncadd.s32 $0xFFFFF980  }
0x70: {  	[tilespmem:s10], [sflag:$0x1] =	stream.indirect.gather [hbm4b:s4+s24], $0x10, s22, s24, $0xb8;
	[tilespmem:$0x1C080] =	vst v63  }
0x71: {  	_ = 	snop  }
0x72: {  	[tilespmem:s11], [sflag:$0x3] =	stream.indirect.gather [hbm4b:s5+s24], $0x10, s8, s24, $0xb8;
	[tilespmem:$0x1C080] =	vst v63  }
0x73: {  	_ =	swait.ge [sflag:s17], $0x6800  }
0x74: {  	[sflag:s17] =	ssyncset.done $0x0  }
0x75: {  	[sflag:s17] =	ssyncadd.s32 $0xFFFF9800  }
0x76: {  	_ =	swait.ge [sflag:s18], $0x6800  }
0x77: {  	[sflag:s18] =	ssyncset.done $0x0  }
0x78: {  	[sflag:s18] =	ssyncadd.s32 $0xFFFF9800  }
0x79: {  	v1 =	vld [tilespmem:s24+$0x0];
	_ =	sdelay $0x2  }
0x7a: {  	v2 =	vmov s22  }
0x7b: {  	v2 =	vshll.u32 v2, $0x4  }
0x7c: {  	v2 =	vor.u32 v0, v2;
	v1 =	vand.u32 $0xF, v1  }
0x7d: {  	v1 =	vor.u32 v2, v1;
	_ =	sdelay $0x4  }
0x7e: {  	v1 =	vld.idx.msk [tilespmem:v1+s14+$0x0], $0xffff;
	_ =	sdelay $0x4  }
0x7f: {  	s22 =	simm.s32 $0x690;
	[tilespmem:s21+$0x0] =	vst v1  }
0x80: {  	s23 =	simm.s32 $0x10;
	s24 =	simm.s32 $0x20;
	v1 =	vld [tilespmem:s22+$0x0]  }
.LBB2_4:
0x81: {  	p0 =	sne.s32 s24, $0x670;
	_ =	sdelay $0x1  }
0x82: {  	v2 =	vmov s23;
	s23 =	smov.u32 s24  }
0x83: {  	v2 =	vshll.u32 v2, $0x4  }
0x84: {  	v2 =	vor.u32 v0, v2;
	v1 =	vand.u32 $0xF, v1  }
0x85: {  	v1 =	vor.u32 v2, v1;
	_ =	sdelay $0x4  }
0x86: {  	v1 =	vld.idx.msk [tilespmem:v1+s14+$0x0], $0xffff;
	_ =	sdelay $0x2  }
.Ltmp1:
0x87: {  	(pc) =	sbr.rel @p0 .LBB2_4-.Ltmp1, $4  }
0x88: {  	_ = 	snop  }
0x89: {  	s21 =	sadd.s32 $0x10, s21  }
0x8a: {  	s22 =	sadd.s32 $0x10, s22;
	[tilespmem:s21+$0x0] =	vst v1  }
0x8b: {  	s24 =	sadd.s32 $0x10, s24;
	v1 =	vld [tilespmem:s22+$0x0]  }
0x8c: {  	_ =	sdelay $0x1  }
0x8d: {  	v2 =	vmov s23  }
0x8e: {  	v2 =	vshll.u32 v2, $0x4  }
0x8f: {  	v2 =	vor.u32 v0, v2;
	v1 =	vand.u32 $0xF, v1  }
0x90: {  	v1 =	vor.u32 v2, v1;
	_ =	sdelay $0x4  }
0x91: {  	v1 =	vld.idx.msk [tilespmem:v1+s14+$0x0], $0xffff;
	_ =	sdelay $0x3  }
0x92: {  	s21 =	sadd.s32 $0x10, s21  }
0x93: {  	s22 =	simm.s32 $0x0;
	s23 =	rddreg [dreg:$0x5];
	[tilespmem:s21+$0x0] =	vst v1  }
0x94: {  	[hbm4b:s23+s22] =	stream.linear.scatter [tilespmem:s13], [sflag:$0x5], $0x6800, $0x38;
	[tilespmem:$0x1C080] =	vst v63  }
0x95: {  	_ =	swait.ge [sflag:s7], $0x6800  }
0x96: {  	[sflag:s7] =	ssyncset.done $0x0  }
0x97: {  	s21 =	simm.s32 $0x1BA00;
	s24 =	rddreg [dreg:$0xf];
	[sflag:s7] =	ssyncadd.s32 $0xFFFF9800  }
0x98: {  	[hbm4b:s24+s22] =	stream.linear.scatter [tilespmem:s21], [sflag:$0x5], $0x680, $0x38;
	[tilespmem:$0x1C080] =	vst v63  }
0x99: {  	_ =	swait.ge [sflag:s7], $0x680  }
0x9a: {  	[sflag:s7] =	ssyncset.done $0x0  }
0x9b: {  	s24 =	rddreg [dreg:$0x13];
	[sflag:s7] =	ssyncadd.s32 $0xFFFFF980  }
0x9c: {  	[tilespmem:s9], [sflag:$0x5] =	stream.linear.gather [hbm4b:s24+s22], $0x680, $0x38;
	[tilespmem:$0x1C080] =	vst v63  }
0x9d: {  	_ =	swait.ge [sflag:s7], $0x680  }
0x9e: {  	[sflag:s7] =	ssyncset.done $0x0  }
0x9f: {  	s24 =	rddreg [dreg:$0x14];
	[sflag:s7] =	ssyncadd.s32 $0xFFFFF980  }
0xa0: {  	[tilespmem:s12], [sflag:$0x5] =	stream.linear.gather [hbm4b:s24+s22], $0x680, $0x38;
	[tilespmem:$0x1C080] =	vst v63  }
0xa1: {  	_ =	swait.ge [sflag:s7], $0x680  }
0xa2: {  	[sflag:s7] =	ssyncset.done $0x0  }
0xa3: {  	[sflag:s7] =	ssyncadd.s32 $0xFFFFF980  }
0xa4: {  	[tilespmem:s13], [sflag:$0x2] =	stream.indirect.gather [hbm4b:s4+s9], $0x10, s9, s9, $0xb8;
	[tilespmem:$0x1C080] =	vst v63  }
0xa5: {  	_ = 	snop  }
0xa6: {  	[tilespmem:s14], [sflag:$0x4] =	stream.indirect.gather [hbm4b:s5+s9], $0x10, s12, s9, $0xb8;
	[tilespmem:$0x1C080] =	vst v63  }
0xa7: {  	_ =	swait.ge [sflag:s15], $0x6800  }
0xa8: {  	[sflag:s15] =	ssyncset.done $0x0  }
0xa9: {  	[sflag:s15] =	ssyncadd.s32 $0xFFFF9800  }
0xaa: {  	_ =	swait.ge [sflag:s16], $0x6800  }
0xab: {  	[sflag:s16] =	ssyncset.done $0x0  }
0xac: {  	[sflag:s16] =	ssyncadd.s32 $0xFFFF9800  }
0xad: {  	v1 =	vld [tilespmem:s22+$0x0];
	_ =	sdelay $0x2  }
0xae: {  	v2 =	vmov s22  }
0xaf: {  	v2 =	vshll.u32 v2, $0x4  }
0xb0: {  	v2 =	vor.u32 v0, v2;
	v1 =	vand.u32 $0xF, v1  }
0xb1: {  	v1 =	vor.u32 v2, v1;
	_ =	sdelay $0x4  }
0xb2: {  	v1 =	vld.idx.msk [tilespmem:v1+s11+$0x0], $0xffff;
	_ =	sdelay $0x4  }
0xb3: {  	s22 =	simm.s32 $0x10;
	[tilespmem:s21+$0x0] =	vst v1  }
0xb4: {  	s23 =	simm.s32 $0x20;
	s24 =	simm.s32 $0x10;
	v1 =	vld [tilespmem:s22+$0x0]  }
.LBB2_6:
0xb5: {  	p0 =	sne.s32 s23, $0x670;
	_ =	sdelay $0x1  }
0xb6: {  	v2 =	vmov s22;
	s22 =	smov.u32 s23  }
0xb7: {  	v2 =	vshll.u32 v2, $0x4  }
0xb8: {  	v2 =	vor.u32 v0, v2;
	v1 =	vand.u32 $0xF, v1  }
0xb9: {  	v1 =	vor.u32 v2, v1;
	_ =	sdelay $0x4  }
0xba: {  	v1 =	vld.idx.msk [tilespmem:v1+s11+$0x0], $0xffff;
	_ =	sdelay $0x2  }
.Ltmp2:
0xbb: {  	(pc) =	sbr.rel @p0 .LBB2_6-.Ltmp2, $4  }
0xbc: {  	_ = 	snop  }
0xbd: {  	s21 =	sadd.s32 $0x10, s21  }
0xbe: {  	s24 =	sadd.s32 $0x10, s24;
	[tilespmem:s21+$0x0] =	vst v1  }
0xbf: {  	s23 =	sadd.s32 $0x10, s23;
	v1 =	vld [tilespmem:s24+$0x0]  }
0xc0: {  	_ =	sdelay $0x1  }
0xc1: {  	v2 =	vmov s22  }
0xc2: {  	v2 =	vshll.u32 v2, $0x4  }
0xc3: {  	v2 =	vor.u32 v0, v2;
	v1 =	vand.u32 $0xF, v1  }
0xc4: {  	v1 =	vor.u32 v2, v1;
	_ =	sdelay $0x4  }
0xc5: {  	v1 =	vld.idx.msk [tilespmem:v1+s11+$0x0], $0xffff;
	_ =	sdelay $0x3  }
0xc6: {  	s21 =	sadd.s32 $0x10, s21  }
0xc7: {  	s22 =	simm.s32 $0x0;
	s23 =	rddreg [dreg:$0x6];
	[tilespmem:s21+$0x0] =	vst v1  }
0xc8: {  	[hbm4b:s23+s22] =	stream.linear.scatter [tilespmem:s10], [sflag:$0x5], $0x6800, $0x38;
	[tilespmem:$0x1C080] =	vst v63  }
0xc9: {  	_ =	swait.ge [sflag:s7], $0x6800  }
0xca: {  	[sflag:s7] =	ssyncset.done $0x0  }
0xcb: {  	s21 =	simm.s32 $0x1BA00;
	s23 =	rddreg [dreg:$0x12];
	[sflag:s7] =	ssyncadd.s32 $0xFFFF9800  }
0xcc: {  	[hbm4b:s23+s22] =	stream.linear.scatter [tilespmem:s21], [sflag:$0x5], $0x680, $0x38;
	[tilespmem:$0x1C080] =	vst v63  }
0xcd: {  	_ =	swait.ge [sflag:s7], $0x680  }
0xce: {  	[sflag:s7] =	ssyncset.done $0x0  }
0xcf: {  	s24 =	rddreg [dreg:$0x16];
	[sflag:s7] =	ssyncadd.s32 $0xFFFFF980  }
0xd0: {  	[tilespmem:s22], [sflag:$0x5] =	stream.linear.gather [hbm4b:s24+s22], $0x680, $0x38;
	[tilespmem:$0x1C080] =	vst v63  }
0xd1: {  	_ =	swait.ge [sflag:s7], $0x680  }
0xd2: {  	[sflag:s7] =	ssyncset.done $0x0  }
0xd3: {  	s24 =	rddreg [dreg:$0x17];
	[sflag:s7] =	ssyncadd.s32 $0xFFFFF980  }
0xd4: {  	[tilespmem:s8], [sflag:$0x5] =	stream.linear.gather [hbm4b:s24+s22], $0x680, $0x38;
	[tilespmem:$0x1C080] =	vst v63  }
0xd5: {  	_ =	swait.ge [sflag:s7], $0x680  }
0xd6: {  	[sflag:s7] =	ssyncset.done $0x0  }
0xd7: {  	s24 =	simm.s32 $0x680;
	[sflag:s7] =	ssyncadd.s32 $0xFFFFF980  }
0xd8: {  	[tilespmem:s10], [sflag:$0x1] =	stream.indirect.gather [hbm4b:s4+s24], $0x10, s22, s24, $0xb8;
	[tilespmem:$0x1C080] =	vst v63  }
0xd9: {  	_ = 	snop  }
0xda: {  	[tilespmem:s11], [sflag:$0x3] =	stream.indirect.gather [hbm4b:s5+s24], $0x10, s8, s24, $0xb8;
	[tilespmem:$0x1C080] =	vst v63  }
0xdb: {  	_ =	swait.ge [sflag:s17], $0x6800  }
0xdc: {  	[sflag:s17] =	ssyncset.done $0x0  }
0xdd: {  	[sflag:s17] =	ssyncadd.s32 $0xFFFF9800  }
0xde: {  	_ =	swait.ge [sflag:s18], $0x6800  }
0xdf: {  	[sflag:s18] =	ssyncset.done $0x0  }
0xe0: {  	[sflag:s18] =	ssyncadd.s32 $0xFFFF9800  }
0xe1: {  	v1 =	vld [tilespmem:s24+$0x0];
	_ =	sdelay $0x2  }
0xe2: {  	v2 =	vmov s22  }
0xe3: {  	v2 =	vshll.u32 v2, $0x4  }
0xe4: {  	v2 =	vor.u32 v0, v2;
	v1 =	vand.u32 $0xF, v1  }
0xe5: {  	v1 =	vor.u32 v2, v1;
	_ =	sdelay $0x4  }
0xe6: {  	v1 =	vld.idx.msk [tilespmem:v1+s14+$0x0], $0xffff;
	_ =	sdelay $0x4  }
0xe7: {  	s22 =	simm.s32 $0x690;
	[tilespmem:s21+$0x0] =	vst v1  }
0xe8: {  	s23 =	simm.s32 $0x10;
	s24 =	simm.s32 $0x20;
	v1 =	vld [tilespmem:s22+$0x0]  }
.LBB2_8:
0xe9: {  	p0 =	sne.s32 s24, $0x670;
	_ =	sdelay $0x1  }
0xea: {  	v2 =	vmov s23;
	s23 =	smov.u32 s24  }
0xeb: {  	v2 =	vshll.u32 v2, $0x4  }
0xec: {  	v2 =	vor.u32 v0, v2;
	v1 =	vand.u32 $0xF, v1  }
0xed: {  	v1 =	vor.u32 v2, v1;
	_ =	sdelay $0x4  }
0xee: {  	v1 =	vld.idx.msk [tilespmem:v1+s14+$0x0], $0xffff;
	_ =	sdelay $0x2  }
.Ltmp3:
0xef: {  	(pc) =	sbr.rel @p0 .LBB2_8-.Ltmp3, $4  }
0xf0: {  	_ = 	snop  }
0xf1: {  	s21 =	sadd.s32 $0x10, s21  }
0xf2: {  	s22 =	sadd.s32 $0x10, s22;
	[tilespmem:s21+$0x0] =	vst v1  }
0xf3: {  	s24 =	sadd.s32 $0x10, s24;
	v1 =	vld [tilespmem:s22+$0x0]  }
0xf4: {  	_ =	sdelay $0x1  }
0xf5: {  	v2 =	vmov s23  }
0xf6: {  	v2 =	vshll.u32 v2, $0x4  }
0xf7: {  	v2 =	vor.u32 v0, v2;
	v1 =	vand.u32 $0xF, v1  }
0xf8: {  	v1 =	vor.u32 v2, v1;
	_ =	sdelay $0x4  }
0xf9: {  	v1 =	vld.idx.msk [tilespmem:v1+s14+$0x0], $0xffff;
	_ =	sdelay $0x3  }
0xfa: {  	s21 =	sadd.s32 $0x10, s21  }
0xfb: {  	s22 =	simm.s32 $0x0;
	s23 =	rddreg [dreg:$0x7];
	[tilespmem:s21+$0x0] =	vst v1  }
0xfc: {  	[hbm4b:s23+s22] =	stream.linear.scatter [tilespmem:s13], [sflag:$0x5], $0x6800, $0x38;
	[tilespmem:$0x1C080] =	vst v63  }
0xfd: {  	_ =	swait.ge [sflag:s7], $0x6800  }
0xfe: {  	[sflag:s7] =	ssyncset.done $0x0  }
0xff: {  	s21 =	simm.s32 $0x1BA00;
	s24 =	rddreg [dreg:$0x15];
	[sflag:s7] =	ssyncadd.s32 $0xFFFF9800  }
0x100: {  	[hbm4b:s24+s22] =	stream.linear.scatter [tilespmem:s21], [sflag:$0x5], $0x680, $0x38;
	[tilespmem:$0x1C080] =	vst v63  }
0x101: {  	_ =	swait.ge [sflag:s7], $0x680  }
0x102: {  	[sflag:s7] =	ssyncset.done $0x0  }
0x103: {  	[sflag:s7] =	ssyncadd.s32 $0xFFFFF980  }
0x104: {  	[tilespmem:s9], [sflag:$0x5] =	stream.linear.gather [hbm4b:s25+s22], $0x680, $0x38;
	[tilespmem:$0x1C080] =	vst v63  }
0x105: {  	_ =	swait.ge [sflag:s7], $0x680  }
0x106: {  	[sflag:s7] =	ssyncset.done $0x0  }
0x107: {  	[sflag:s7] =	ssyncadd.s32 $0xFFFFF980  }
0x108: {  	[tilespmem:s12], [sflag:$0x5] =	stream.linear.gather [hbm4b:s26+s22], $0x680, $0x38;
	[tilespmem:$0x1C080] =	vst v63  }
0x109: {  	_ =	swait.ge [sflag:s7], $0x680  }
0x10a: {  	[sflag:s7] =	ssyncset.done $0x0  }
0x10b: {  	[sflag:s7] =	ssyncadd.s32 $0xFFFFF980  }
0x10c: {  	[tilespmem:s13], [sflag:$0x2] =	stream.indirect.gather [hbm4b:s4+s9], $0x10, s9, s9, $0xb8;
	[tilespmem:$0x1C080] =	vst v63  }
0x10d: {  	_ = 	snop  }
0x10e: {  	[tilespmem:s14], [sflag:$0x4] =	stream.indirect.gather [hbm4b:s5+s9], $0x10, s12, s9, $0xb8;
	[tilespmem:$0x1C080] =	vst v63  }
0x10f: {  	_ =	swait.ge [sflag:s15], $0x6800  }
0x110: {  	[sflag:s15] =	ssyncset.done $0x0  }
0x111: {  	[sflag:s15] =	ssyncadd.s32 $0xFFFF9800  }
0x112: {  	_ =	swait.ge [sflag:s16], $0x6800  }
0x113: {  	[sflag:s16] =	ssyncset.done $0x0  }
0x114: {  	[sflag:s16] =	ssyncadd.s32 $0xFFFF9800  }
0x115: {  	v1 =	vld [tilespmem:s22+$0x0];
	_ =	sdelay $0x2  }
0x116: {  	v2 =	vmov s22  }
0x117: {  	v2 =	vshll.u32 v2, $0x4  }
0x118: {  	v2 =	vor.u32 v0, v2;
	v1 =	vand.u32 $0xF, v1  }
0x119: {  	v1 =	vor.u32 v2, v1;
	_ =	sdelay $0x4  }
0x11a: {  	v1 =	vld.idx.msk [tilespmem:v1+s11+$0x0], $0xffff;
	_ =	sdelay $0x4  }
0x11b: {  	s22 =	simm.s32 $0x10;
	[tilespmem:s21+$0x0] =	vst v1  }
0x11c: {  	s23 =	simm.s32 $0x20;
	s24 =	simm.s32 $0x10;
	v1 =	vld [tilespmem:s22+$0x0]  }
.LBB2_10:
0x11d: {  	p0 =	sne.s32 s23, $0x670;
	_ =	sdelay $0x1  }
0x11e: {  	v2 =	vmov s22;
	s22 =	smov.u32 s23  }
0x11f: {  	v2 =	vshll.u32 v2, $0x4  }
0x120: {  	v2 =	vor.u32 v0, v2;
	v1 =	vand.u32 $0xF, v1  }
0x121: {  	v1 =	vor.u32 v2, v1;
	_ =	sdelay $0x4  }
0x122: {  	v1 =	vld.idx.msk [tilespmem:v1+s11+$0x0], $0xffff;
	_ =	sdelay $0x2  }
.Ltmp4:
0x123: {  	(pc) =	sbr.rel @p0 .LBB2_10-.Ltmp4, $4  }
0x124: {  	_ = 	snop  }
0x125: {  	s21 =	sadd.s32 $0x10, s21  }
0x126: {  	s24 =	sadd.s32 $0x10, s24;
	[tilespmem:s21+$0x0] =	vst v1  }
0x127: {  	s23 =	sadd.s32 $0x10, s23;
	v1 =	vld [tilespmem:s24+$0x0]  }
0x128: {  	_ =	sdelay $0x1  }
0x129: {  	v2 =	vmov s22  }
0x12a: {  	v2 =	vshll.u32 v2, $0x4  }
0x12b: {  	v2 =	vor.u32 v0, v2;
	v1 =	vand.u32 $0xF, v1  }
0x12c: {  	v1 =	vor.u32 v2, v1;
	_ =	sdelay $0x4  }
0x12d: {  	v1 =	vld.idx.msk [tilespmem:v1+s11+$0x0], $0xffff;
	_ =	sdelay $0x3  }
0x12e: {  	s21 =	sadd.s32 $0x10, s21  }
0x12f: {  	s22 =	simm.s32 $0x0;
	s23 =	rddreg [dreg:$0x8];
	[tilespmem:s21+$0x0] =	vst v1  }
0x130: {  	[hbm4b:s23+s22] =	stream.linear.scatter [tilespmem:s10], [sflag:$0x5], $0x6800, $0x38;
	[tilespmem:$0x1C080] =	vst v63  }
0x131: {  	_ =	swait.ge [sflag:s7], $0x6800  }
0x132: {  	[sflag:s7] =	ssyncset.done $0x0  }
0x133: {  	s21 =	simm.s32 $0x1BA00;
	s23 =	rddreg [dreg:$0x18];
	[sflag:s7] =	ssyncadd.s32 $0xFFFF9800  }
0x134: {  	[hbm4b:s23+s22] =	stream.linear.scatter [tilespmem:s21], [sflag:$0x5], $0x680, $0x38;
	[tilespmem:$0x1C080] =	vst v63  }
0x135: {  	_ =	swait.ge [sflag:s7], $0x680  }
0x136: {  	[sflag:s7] =	ssyncset.done $0x0  }
0x137: {  	[sflag:s7] =	ssyncadd.s32 $0xFFFFF980  }
0x138: {  	[tilespmem:s22], [sflag:$0x5] =	stream.linear.gather [hbm4b:s30+s22], $0x680, $0x38;
	[tilespmem:$0x1C080] =	vst v63  }
0x139: {  	_ =	swait.ge [sflag:s7], $0x680  }
0x13a: {  	[sflag:s7] =	ssyncset.done $0x0  }
0x13b: {  	[sflag:s7] =	ssyncadd.s32 $0xFFFFF980  }
0x13c: {  	[tilespmem:s8], [sflag:$0x5] =	stream.linear.gather [hbm4b:s29+s22], $0x680, $0x38;
	[tilespmem:$0x1C080] =	vst v63  }
0x13d: {  	_ =	swait.ge [sflag:s7], $0x680  }
0x13e: {  	[sflag:s7] =	ssyncset.done $0x0  }
0x13f: {  	s24 =	simm.s32 $0x680;
	[sflag:s7] =	ssyncadd.s32 $0xFFFFF980  }
0x140: {  	[tilespmem:s10], [sflag:$0x1] =	stream.indirect.gather [hbm4b:s4+s24], $0x10, s22, s24, $0xb8;
	[tilespmem:$0x1C080] =	vst v63  }
0x141: {  	_ = 	snop  }
0x142: {  	[tilespmem:s11], [sflag:$0x3] =	stream.indirect.gather [hbm4b:s5+s24], $0x10, s8, s24, $0xb8;
	[tilespmem:$0x1C080] =	vst v63  }
0x143: {  	_ =	swait.ge [sflag:s17], $0x6800  }
0x144: {  	[sflag:s17] =	ssyncset.done $0x0  }
0x145: {  	[sflag:s17] =	ssyncadd.s32 $0xFFFF9800  }
0x146: {  	_ =	swait.ge [sflag:s18], $0x6800  }
0x147: {  	[sflag:s18] =	ssyncset.done $0x0  }
0x148: {  	[sflag:s18] =	ssyncadd.s32 $0xFFFF9800  }
0x149: {  	v1 =	vld [tilespmem:s24+$0x0];
	_ =	sdelay $0x2  }
0x14a: {  	v2 =	vmov s22  }
0x14b: {  	v2 =	vshll.u32 v2, $0x4  }
0x14c: {  	v2 =	vor.u32 v0, v2;
	v1 =	vand.u32 $0xF, v1  }
0x14d: {  	v1 =	vor.u32 v2, v1;
	_ =	sdelay $0x4  }
0x14e: {  	v1 =	vld.idx.msk [tilespmem:v1+s14+$0x0], $0xffff;
	_ =	sdelay $0x4  }
0x14f: {  	s22 =	simm.s32 $0x690;
	[tilespmem:s21+$0x0] =	vst v1  }
0x150: {  	s23 =	simm.s32 $0x10;
	s24 =	simm.s32 $0x20;
	v1 =	vld [tilespmem:s22+$0x0]  }
.LBB2_12:
0x151: {  	p0 =	sne.s32 s24, $0x670;
	_ =	sdelay $0x1  }
0x152: {  	v2 =	vmov s23;
	s23 =	smov.u32 s24  }
0x153: {  	v2 =	vshll.u32 v2, $0x4  }
0x154: {  	v2 =	vor.u32 v0, v2;
	v1 =	vand.u32 $0xF, v1  }
0x155: {  	v1 =	vor.u32 v2, v1;
	_ =	sdelay $0x4  }
0x156: {  	v1 =	vld.idx.msk [tilespmem:v1+s14+$0x0], $0xffff;
	_ =	sdelay $0x2  }
.Ltmp5:
0x157: {  	(pc) =	sbr.rel @p0 .LBB2_12-.Ltmp5, $4  }
0x158: {  	_ = 	snop  }
0x159: {  	s21 =	sadd.s32 $0x10, s21  }
0x15a: {  	s22 =	sadd.s32 $0x10, s22;
	[tilespmem:s21+$0x0] =	vst v1  }
0x15b: {  	s24 =	sadd.s32 $0x10, s24;
	v1 =	vld [tilespmem:s22+$0x0]  }
0x15c: {  	_ =	sdelay $0x1  }
0x15d: {  	v2 =	vmov s23  }
0x15e: {  	v2 =	vshll.u32 v2, $0x4  }
0x15f: {  	v2 =	vor.u32 v0, v2;
	v1 =	vand.u32 $0xF, v1  }
0x160: {  	v1 =	vor.u32 v2, v1;
	_ =	sdelay $0x4  }
0x161: {  	v1 =	vld.idx.msk [tilespmem:v1+s14+$0x0], $0xffff;
	_ =	sdelay $0x3  }
0x162: {  	s21 =	sadd.s32 $0x10, s21  }
0x163: {  	s22 =	simm.s32 $0x0;
	s24 =	rddreg [dreg:$0x9];
	[tilespmem:s21+$0x0] =	vst v1  }
0x164: {  	[hbm4b:s24+s22] =	stream.linear.scatter [tilespmem:s13], [sflag:$0x5], $0x6800, $0x38;
	[tilespmem:$0x1C080] =	vst v63  }
0x165: {  	_ =	swait.ge [sflag:s7], $0x6800  }
0x166: {  	[sflag:s7] =	ssyncset.done $0x0  }
0x167: {  	s21 =	simm.s32 $0x1BA00;
	[sflag:s7] =	ssyncadd.s32 $0xFFFF9800  }
0x168: {  	[hbm4b:s28+s22] =	stream.linear.scatter [tilespmem:s21], [sflag:$0x5], $0x680, $0x38;
	[tilespmem:$0x1C080] =	vst v63  }
0x169: {  	_ =	swait.ge [sflag:s7], $0x680  }
0x16a: {  	[sflag:s7] =	ssyncset.done $0x0  }
0x16b: {  	[sflag:s7] =	ssyncadd.s32 $0xFFFFF980  }
0x16c: {  	[tilespmem:s9], [sflag:$0x5] =	stream.linear.gather [hbm4b:s31+s22], $0x680, $0x38;
	[tilespmem:$0x1C080] =	vst v63  }
0x16d: {  	_ =	swait.ge [sflag:s7], $0x680  }
0x16e: {  	[sflag:s7] =	ssyncset.done $0x0  }
0x16f: {  	[sflag:s7] =	ssyncadd.s32 $0xFFFFF980  }
0x170: {  	[tilespmem:s12], [sflag:$0x5] =	stream.linear.gather [hbm4b:s0+s22], $0x680, $0x38;
	[tilespmem:$0x1C080] =	vst v63  }
0x171: {  	_ =	swait.ge [sflag:s7], $0x680  }
0x172: {  	[sflag:s7] =	ssyncset.done $0x0  }
0x173: {  	[sflag:s7] =	ssyncadd.s32 $0xFFFFF980  }
0x174: {  	[tilespmem:s13], [sflag:$0x2] =	stream.indirect.gather [hbm4b:s4+s9], $0x10, s9, s9, $0xb8;
	[tilespmem:$0x1C080] =	vst v63  }
0x175: {  	_ = 	snop  }
0x176: {  	[tilespmem:s14], [sflag:$0x4] =	stream.indirect.gather [hbm4b:s5+s9], $0x10, s12, s9, $0xb8;
	[tilespmem:$0x1C080] =	vst v63  }
0x177: {  	_ =	swait.ge [sflag:s15], $0x6800  }
0x178: {  	[sflag:s15] =	ssyncset.done $0x0  }
0x179: {  	[sflag:s15] =	ssyncadd.s32 $0xFFFF9800  }
0x17a: {  	_ =	swait.ge [sflag:s16], $0x6800  }
0x17b: {  	[sflag:s16] =	ssyncset.done $0x0  }
0x17c: {  	[sflag:s16] =	ssyncadd.s32 $0xFFFF9800  }
0x17d: {  	v1 =	vld [tilespmem:s22+$0x0];
	_ =	sdelay $0x2  }
0x17e: {  	v2 =	vmov s22  }
0x17f: {  	v2 =	vshll.u32 v2, $0x4  }
0x180: {  	v2 =	vor.u32 v0, v2;
	v1 =	vand.u32 $0xF, v1  }
0x181: {  	v1 =	vor.u32 v2, v1;
	_ =	sdelay $0x4  }
0x182: {  	v1 =	vld.idx.msk [tilespmem:v1+s11+$0x0], $0xffff;
	_ =	sdelay $0x4  }
0x183: {  	s22 =	simm.s32 $0x10;
	[tilespmem:s21+$0x0] =	vst v1  }
0x184: {  	s23 =	simm.s32 $0x20;
	s24 =	simm.s32 $0x10;
	v1 =	vld [tilespmem:s22+$0x0]  }
.LBB2_14:
0x185: {  	p0 =	sne.s32 s23, $0x670;
	_ =	sdelay $0x1  }
0x186: {  	v2 =	vmov s22;
	s22 =	smov.u32 s23  }
0x187: {  	v2 =	vshll.u32 v2, $0x4  }
0x188: {  	v2 =	vor.u32 v0, v2;
	v1 =	vand.u32 $0xF, v1  }
0x189: {  	v1 =	vor.u32 v2, v1;
	_ =	sdelay $0x4  }
0x18a: {  	v1 =	vld.idx.msk [tilespmem:v1+s11+$0x0], $0xffff;
	_ =	sdelay $0x2  }
.Ltmp6:
0x18b: {  	(pc) =	sbr.rel @p0 .LBB2_14-.Ltmp6, $4  }
0x18c: {  	_ = 	snop  }
0x18d: {  	s21 =	sadd.s32 $0x10, s21  }
0x18e: {  	s24 =	sadd.s32 $0x10, s24;
	[tilespmem:s21+$0x0] =	vst v1  }
0x18f: {  	s23 =	sadd.s32 $0x10, s23;
	v1 =	vld [tilespmem:s24+$0x0]  }
0x190: {  	_ =	sdelay $0x1  }
0x191: {  	v2 =	vmov s22  }
0x192: {  	v2 =	vshll.u32 v2, $0x4  }
0x193: {  	v2 =	vor.u32 v0, v2;
	v1 =	vand.u32 $0xF, v1  }
0x194: {  	v1 =	vor.u32 v2, v1;
	_ =	sdelay $0x4  }
0x195: {  	v1 =	vld.idx.msk [tilespmem:v1+s11+$0x0], $0xffff;
	_ =	sdelay $0x3  }
0x196: {  	s21 =	sadd.s32 $0x10, s21  }
0x197: {  	s22 =	simm.s32 $0x0;
	s24 =	rddreg [dreg:$0xa];
	[tilespmem:s21+$0x0] =	vst v1  }
0x198: {  	[hbm4b:s24+s22] =	stream.linear.scatter [tilespmem:s10], [sflag:$0x5], $0x6800, $0x38;
	[tilespmem:$0x1C080] =	vst v63  }
0x199: {  	_ =	swait.ge [sflag:s7], $0x6800  }
0x19a: {  	[sflag:s7] =	ssyncset.done $0x0  }
0x19b: {  	s21 =	simm.s32 $0x1BA00;
	[sflag:s7] =	ssyncadd.s32 $0xFFFF9800  }
0x19c: {  	[hbm4b:s2+s22] =	stream.linear.scatter [tilespmem:s21], [sflag:$0x5], $0x680, $0x38;
	[tilespmem:$0x1C080] =	vst v63  }
0x19d: {  	_ =	swait.ge [sflag:s7], $0x680  }
0x19e: {  	[sflag:s7] =	ssyncset.done $0x0  }
0x19f: {  	[sflag:s7] =	ssyncadd.s32 $0xFFFFF980  }
0x1a0: {  	_ =	swait.ge [sflag:s17], $0x6800  }
0x1a1: {  	[sflag:s17] =	ssyncset.done $0x0  }
0x1a2: {  	[sflag:s17] =	ssyncadd.s32 $0xFFFF9800  }
0x1a3: {  	_ =	swait.ge [sflag:s18], $0x6800  }
0x1a4: {  	[sflag:s18] =	ssyncset.done $0x0  }
0x1a5: {  	s23 =	simm.s32 $0x680;
	[sflag:s18] =	ssyncadd.s32 $0xFFFF9800  }
0x1a6: {  	v1 =	vld [tilespmem:s23+$0x0];
	_ =	sdelay $0x2  }
0x1a7: {  	v2 =	vmov s22  }
0x1a8: {  	v2 =	vshll.u32 v2, $0x4  }
0x1a9: {  	v2 =	vor.u32 v0, v2;
	v1 =	vand.u32 $0xF, v1  }
0x1aa: {  	v1 =	vor.u32 v2, v1;
	_ =	sdelay $0x4  }
0x1ab: {  	v1 =	vld.idx.msk [tilespmem:v1+s14+$0x0], $0xffff;
	_ =	sdelay $0x4  }
0x1ac: {  	s22 =	simm.s32 $0x690;
	[tilespmem:s21+$0x0] =	vst v1  }
0x1ad: {  	s24 =	simm.s32 $0x20;
	s23 =	simm.s32 $0x10;
	v1 =	vld [tilespmem:s22+$0x0]  }
.LBB2_16:
0x1ae: {  	p0 =	sne.s32 s24, $0x670;
	_ =	sdelay $0x1  }
0x1af: {  	v2 =	vmov s23;
	s23 =	smov.u32 s24  }
0x1b0: {  	v2 =	vshll.u32 v2, $0x4  }
0x1b1: {  	v2 =	vor.u32 v0, v2;
	v1 =	vand.u32 $0xF, v1  }
0x1b2: {  	v1 =	vor.u32 v2, v1;
	_ =	sdelay $0x4  }
0x1b3: {  	v1 =	vld.idx.msk [tilespmem:v1+s14+$0x0], $0xffff;
	_ =	sdelay $0x2  }
.Ltmp7:
0x1b4: {  	(pc) =	sbr.rel @p0 .LBB2_16-.Ltmp7, $4  }
0x1b5: {  	_ = 	snop  }
0x1b6: {  	s21 =	sadd.s32 $0x10, s21  }
0x1b7: {  	s22 =	sadd.s32 $0x10, s22;
	[tilespmem:s21+$0x0] =	vst v1  }
0x1b8: {  	s24 =	sadd.s32 $0x10, s24;
	v1 =	vld [tilespmem:s22+$0x0]  }
0x1b9: {  	_ =	sdelay $0x1  }
0x1ba: {  	v2 =	vmov s23  }
0x1bb: {  	v2 =	vshll.u32 v2, $0x4  }
0x1bc: {  	v2 =	vor.u32 v0, v2;
	v1 =	vand.u32 $0xF, v1  }
0x1bd: {  	v1 =	vor.u32 v2, v1;
	_ =	sdelay $0x4  }
0x1be: {  	v1 =	vld.idx.msk [tilespmem:v1+s14+$0x0], $0xffff;
	_ =	sdelay $0x3  }
0x1bf: {  	s21 =	sadd.s32 $0x10, s21  }
0x1c0: {  	s24 =	rddreg [dreg:$0xb];
	[tilespmem:s21+$0x0] =	vst v1  }
0x1c1: {  	[hbm4b:s24+s1] =	stream.linear.scatter [tilespmem:s13], [sflag:$0x5], $0x6800, $0x38;
	[tilespmem:$0x1C080] =	vst v63  }
0x1c2: {  	s20 =	sadd.s32 $0x1, s20;
	_ =	swait.ge [sflag:s7], $0x6800  }
0x1c3: {  	p0 =	sne.s32 s20, s6;
	[sflag:s7] =	ssyncset.done $0x0  }
.Ltmp8:
0x1c4: {  	[sflag:s7] =	ssyncadd.s32 $0xFFFF9800;
	(pc) =	sbr.rel @p0 .LBB2_1-.Ltmp8, $4  }
0x1c5: {  	[hbm4b:s3+s1] =	stream.linear.scatter [tilespmem:s19], [sflag:$0x5], $0x680, $0x38;
	[tilespmem:$0x1C080] =	vst v63  }
0x1c6: {  	_ =	swait.ge [sflag:s7], $0x680  }
0x1c7: {  	[sflag:s7] =	ssyncset.done $0x0  }
0x1c8: {  	[sflag:s7] =	ssyncadd.s32 $0xFFFFF980  }
0x1c9: {  	_ =	sfence.sel $0x180000  }
0x1ca: {  	[bflag:$0x0] =	sbarrier.arrive $0xFFFF  }
0x1cb: {  	_ =	strace $0x90000047  }
0x1cc: {  	s0 =	stileid.u32;
	[bflag:$0x2] =	sbarrier.arrive $0xFFFF  }
0x1cd: {  	p0 =	sne.s32 s0, $0x0;
	s0 =	rddreg [dreg:$0x1]  }
0x1ce: {  	s0 =	sadd.s32 @!p0 $0x100000, s0  }
0x1cf: {  	[sflag:s0] =	ssyncadd.tile.s32 @!p0 $0x1;
	_ =	shalt  }
.Lfunc_end2:
_tile_overlayer_lowered:
.L_overlay_start_2:
0x1d0: {  	(tag) =	ssettag $0x2  }
0x1d1: {  	s0 =	rddreg [dreg:$0x0];
	s2 =	stileid.u32  }
0x1d2: {  	s1 =	rddreg [dreg:$0x1];
	p0 =	sne.s32 s2, $0x0  }
0x1d3: {  	s3 =	rddreg [dreg:$0x2];
	[bflag:$0x3] =	sbarrier.arrive $0xFFFF;
	s2 =	simm.s32 @!p0 $0x1C05  }
0x1d4: {  	[timem:s3], [sflag:s2] =	dma.local @!p0 [hbm:s0], s1  }
0x1d5: {  	s0 =	simm.s32 @!p0 $0x5  }
0x1d6: {  	_ =	swait.ge @!p0 [sflag:s0], s1  }
0x1d7: {  	s1 =	ssub.s32 @!p0 $0x0, s1;
	[sflag:s0] =	ssyncset.done @!p0 $0x0  }
0x1d8: {  	[sflag:s0] =	ssyncadd.s32 @!p0 s1  }
0x1d9: {  	[bflag:$0x3] =	sbarrier.arrive $0xFFFF  }
0x1da: {  	_ =	shalt  }

</sc_bundles>
